<compile_context>
chip_gen: v7x
topology: tpu7x:2x2x1
jax: 0.10.2.dev20260603
libtpu: 0.0.44.dev20260713+nightly
codegen_flags: <defaults>
</compile_context>

<pallas_src>
import functools

import jax
import jax.numpy as jnp
from jax import lax
from jax.experimental import pallas as pl
from jax.experimental.pallas import tpu as pltpu
from jax.experimental.pallas import tpu_sc as plsc

VOCAB = 1002
DIM = 128
BATCH = 4096
SEQ = 200
TOTAL = BATCH * SEQ
NUM_CORES = 2
NUM_SUBCORES = 16
NW = NUM_CORES * NUM_SUBCORES
PER_W = TOTAL // NW
CHUNK = 128
NCHUNK = PER_W // CHUNK
NBUF = 4
TROWS = 64
NGROUPS = NCHUNK // NBUF

_mesh = plsc.VectorSubcoreMesh(core_axis_name="c", subcore_axis_name="s")


@functools.partial(
    pl.kernel,
    mesh=_mesh,
    out_type=jax.ShapeDtypeStruct((TOTAL, DIM), jnp.float32),
    scratch_types=[
        pltpu.VMEM((NCHUNK, CHUNK), jnp.int32),
        pltpu.VMEM((NBUF, CHUNK, DIM), jnp.float32),
        pltpu.VMEM_SHARED((VOCAB, DIM), jnp.float32),
    ]
    + [pltpu.SemaphoreType.DMA] * NBUF
    + [pltpu.SemaphoreType.DMA] * NBUF,
)
def _emb_lookup(idx_hbm, table_hbm, out_hbm, idx_v, rows_v, table_sp, *sems):
    gsem = sems[:NBUF]
    wsem = sems[NBUF:]
    sid = lax.axis_index("s")
    wid = sid * NUM_CORES + lax.axis_index("c")
    base = wid * PER_W

    @pl.when(sid < NUM_SUBCORES - 1)
    def _():
        pltpu.sync_copy(table_hbm.at[pl.ds(sid * TROWS, TROWS)],
                        table_sp.at[pl.ds(sid * TROWS, TROWS)])

    @pl.when(sid == NUM_SUBCORES - 1)
    def _():
        tail = (NUM_SUBCORES - 1) * TROWS
        pltpu.sync_copy(table_hbm.at[pl.ds(tail, VOCAB - tail)],
                        table_sp.at[pl.ds(tail, VOCAB - tail)])

    pltpu.sync_copy(idx_hbm.at[wid], idx_v)
    plsc.subcore_barrier()

    def gather(g, b):
        pltpu.async_copy(table_sp.at[idx_v.at[g]], rows_v.at[b], gsem[b])

    def write(g, b):
        pltpu.async_copy(rows_v.at[b], out_hbm.at[pl.ds(base + g * CHUNK, CHUNK)], wsem[b])

    def wait_gather(b):
        pltpu.make_async_copy(table_sp.at[idx_v.at[0]], rows_v.at[b], gsem[b]).wait()

    def wait_write(b):
        pltpu.make_async_copy(rows_v.at[b], out_hbm.at[pl.ds(base, CHUNK)], wsem[b]).wait()

    for b in range(NBUF):
        gather(b, b)

    def group_body(grp, carry):
        g0 = grp * NBUF
        for b in range(NBUF):
            wait_gather(b)
            write(g0 + b, b)
        for b in range(NBUF):
            wait_write(b)
            gather(g0 + NBUF + b, b)
        return carry

    lax.fori_loop(0, NGROUPS - 1, group_body, 0)

    g0 = (NGROUPS - 1) * NBUF
    for b in range(NBUF):
        wait_gather(b)
        write(g0 + b, b)
    for b in range(NBUF):
        wait_write(b)


def kernel(input, table):
    idx = input.reshape(NW, NCHUNK, CHUNK)
    out = _emb_lookup(idx, table)
    return out.reshape(BATCH, SEQ, DIM)

# --- scband reference (transcript-rebuilt; emitter-appended) ---
"""Pipeline reference for scband-embedding-module-28243704938611 (READ-ONLY COPY).

The authoritative reference and input builder live on the scoring server;
editing this copy changes nothing except your own understanding.
"""

import jax, jax.numpy as jnp
import numpy as np

VOCAB = 1002  # 1000 words + <unk>, <pad> specials
DIM = 128
B = 4096
L = 200
PAD_ID = 1

def setup_inputs(seed: int = 0) -> dict:
    key = jax.random.key(seed)
    k1, k2 = jax.random.split(key)
    # nn.Embedding weight initialized uniform(-1, 1), PAD row zeroed
    table = jax.random.uniform(k1, (VOCAB, DIM), minval=-1.0, maxval=1.0, dtype=jnp.float32)
    table = table.at[PAD_ID].set(0.0)
    indices = jax.random.randint(k2, (B, L), 0, 1000, dtype=jnp.int32)
    return {"input": indices, "table": table}

def reference(input, table):
    # EmbeddingModule.forward: return self.embeddings(input)
    return jnp.take(table, input, axis=0)

if __name__ == "__main__":
    import jax
    _d = setup_inputs()
    print(jax.jit(kernel)(*tuple(_d.values())))

</pallas_src>

<mosaic_0001>
#map = affine_map<(d0, d1) -> (0, 0, 0)>
#map1 = affine_map<(d0, d1) -> (0, 0)>
module attributes {stable_mosaic.version = 14 : i64} {
  func.func @_emb_lookup(%arg0: i32, %arg1: i32, %arg2: memref<32x200x128xi32, #tpu.memory_space<hbm>>, %arg3: memref<1002x128xf32, #tpu.memory_space<hbm>>, %arg4: memref<819200x128xf32, #tpu.memory_space<hbm>>, %arg5: memref<200x128xi32, #tpu.memory_space<vmem>>, %arg6: memref<4x128x128xf32, #tpu.memory_space<vmem>>, %arg7: memref<1002x128xf32, #tpu.memory_space<vmem_shared>>, %arg8: memref<!tpu.dma_semaphore, #tpu.memory_space<semaphore_mem>>, %arg9: memref<!tpu.dma_semaphore, #tpu.memory_space<semaphore_mem>>, %arg10: memref<!tpu.dma_semaphore, #tpu.memory_space<semaphore_mem>>, %arg11: memref<!tpu.dma_semaphore, #tpu.memory_space<semaphore_mem>>, %arg12: memref<!tpu.dma_semaphore, #tpu.memory_space<semaphore_mem>>, %arg13: memref<!tpu.dma_semaphore, #tpu.memory_space<semaphore_mem>>, %arg14: memref<!tpu.dma_semaphore, #tpu.memory_space<semaphore_mem>>, %arg15: memref<!tpu.dma_semaphore, #tpu.memory_space<semaphore_mem>>) attributes {dimension_semantics = [#tpu.dimension_semantics<core_parallel>, #tpu.dimension_semantics<subcore_parallel>], iteration_bounds = array<i64: 2, 16>, scalar_prefetch = 0 : i64, scratch_operands = 11 : i64, tpu.core_type = #tpu.core_type<sc_vector_subcore>, window_params = [{transform_indices = #map}, {transform_indices = #map1}, {transform_indices = #map1}]} {
    %mul3A = arith.constant 2 : i32
    %mul3A_0 = arith.muli %arg1, %mul3A : i32
    %add3A = arith.addi %mul3A_0, %arg0 : i32
    %mul3A_1 = arith.constant 25600 : i32
    %mul3A_2 = arith.muli %add3A, %mul3A_1 : i32
    %lt3A = arith.constant 15 : i32
    %lt3A_3 = arith.cmpi slt, %arg1, %lt3A : i32
    %convert_element_type3A = arith.extui %lt3A_3 : i1 to i32
    %cond3A = arith.constant 0 : i32
    %cond3A_4 = arith.cmpi ne, %convert_element_type3A, %cond3A : i32
    scf.if %cond3A_4 {
      %mul3A_220 = arith.constant 64 : i32
      %mul3A_221 = arith.muli %arg1, %mul3A_220 : i32
      %mul3A_222 = arith.constant 64 : i32
      %mul3A_223 = arith.muli %arg1, %mul3A_222 : i32
      "tpu.region"() ({
        %run_scoped3A = tpu.sem_alloc : memref<!tpu.dma_semaphore, #tpu.memory_space<semaphore_mem>>
        %dma_start3A_224 = arith.constant 0 : i32
        %dma_start3A_225 = tpu.memref_slice %arg7[%mul3A_223, %dma_start3A_224] : memref<1002x128xf32, #tpu.memory_space<vmem_shared>> -> memref<64x128xf32, #tpu.memory_space<vmem_shared>>
        %dma_start3A_226 = arith.constant 0 : i32
        %dma_start3A_227 = tpu.memref_slice %arg3[%mul3A_221, %dma_start3A_226] : memref<1002x128xf32, #tpu.memory_space<hbm>> -> memref<64x128xf32, #tpu.memory_space<hbm>>
        tpu.enqueue_dma source(%dma_start3A_227 : memref<64x128xf32, #tpu.memory_space<hbm>>) target(%dma_start3A_225 : memref<64x128xf32, #tpu.memory_space<vmem_shared>>) target_semaphore(%run_scoped3A : memref<!tpu.dma_semaphore, #tpu.memory_space<semaphore_mem>>)
        %dma_wait3A_228 = arith.constant 0 : i32
        %dma_wait3A_229 = tpu.memref_slice %arg7[%mul3A_223, %dma_wait3A_228] : memref<1002x128xf32, #tpu.memory_space<vmem_shared>> -> memref<64x128xf32, #tpu.memory_space<vmem_shared>>
        %dma_wait3A_230 = arith.constant 0 : i32
        %dma_wait3A_231 = tpu.memref_slice %arg3[%mul3A_221, %dma_wait3A_230] : memref<1002x128xf32, #tpu.memory_space<hbm>> -> memref<64x128xf32, #tpu.memory_space<hbm>>
        tpu.wait_dma2 semaphore(%run_scoped3A : memref<!tpu.dma_semaphore, #tpu.memory_space<semaphore_mem>>) src(%dma_wait3A_231 : memref<64x128xf32, #tpu.memory_space<hbm>>) dst(%dma_wait3A_229 : memref<64x128xf32, #tpu.memory_space<vmem_shared>>)
        tpu.yield
      }) : () -> ()
    } else {
    }
    %eq3A = arith.constant 15 : i32
    %eq3A_5 = arith.cmpi eq, %arg1, %eq3A : i32
    %convert_element_type3A_6 = arith.extui %eq3A_5 : i1 to i32
    %cond3A_7 = arith.constant 0 : i32
    %cond3A_8 = arith.cmpi ne, %convert_element_type3A_6, %cond3A_7 : i32
    scf.if %cond3A_8 {
      "tpu.region"() ({
        %run_scoped3A = tpu.sem_alloc : memref<!tpu.dma_semaphore, #tpu.memory_space<semaphore_mem>>
        %dma_start3A_220 = arith.constant 960 : i32
        %dma_start3A_221 = arith.constant 0 : i32
        %dma_start3A_222 = tpu.memref_slice %arg7[%dma_start3A_220, %dma_start3A_221] : memref<1002x128xf32, #tpu.memory_space<vmem_shared>> -> memref<42x128xf32, #tpu.memory_space<vmem_shared>>
        %dma_start3A_223 = arith.constant 960 : i32
        %dma_start3A_224 = arith.constant 0 : i32
        %dma_start3A_225 = tpu.memref_slice %arg3[%dma_start3A_223, %dma_start3A_224] : memref<1002x128xf32, #tpu.memory_space<hbm>> -> memref<42x128xf32, #tpu.memory_space<hbm>>
        tpu.enqueue_dma source(%dma_start3A_225 : memref<42x128xf32, #tpu.memory_space<hbm>>) target(%dma_start3A_222 : memref<42x128xf32, #tpu.memory_space<vmem_shared>>) target_semaphore(%run_scoped3A : memref<!tpu.dma_semaphore, #tpu.memory_space<semaphore_mem>>)
        %dma_wait3A_226 = arith.constant 960 : i32
        %dma_wait3A_227 = arith.constant 0 : i32
        %dma_wait3A_228 = tpu.memref_slice %arg7[%dma_wait3A_226, %dma_wait3A_227] : memref<1002x128xf32, #tpu.memory_space<vmem_shared>> -> memref<42x128xf32, #tpu.memory_space<vmem_shared>>
        %dma_wait3A_229 = arith.constant 960 : i32
        %dma_wait3A_230 = arith.constant 0 : i32
        %dma_wait3A_231 = tpu.memref_slice %arg3[%dma_wait3A_229, %dma_wait3A_230] : memref<1002x128xf32, #tpu.memory_space<hbm>> -> memref<42x128xf32, #tpu.memory_space<hbm>>
        tpu.wait_dma2 semaphore(%run_scoped3A : memref<!tpu.dma_semaphore, #tpu.memory_space<semaphore_mem>>) src(%dma_wait3A_231 : memref<42x128xf32, #tpu.memory_space<hbm>>) dst(%dma_wait3A_228 : memref<42x128xf32, #tpu.memory_space<vmem_shared>>)
        tpu.yield
      }) : () -> ()
    } else {
    }
    "tpu.region"() ({
      %run_scoped3A = tpu.sem_alloc : memref<!tpu.dma_semaphore, #tpu.memory_space<semaphore_mem>>
      %dma_start3A_220 = arith.constant 0 : i32
      %dma_start3A_221 = arith.constant 0 : i32
      %dma_start3A_222 = tpu.memref_slice %arg2[%add3A, %dma_start3A_220, %dma_start3A_221] : memref<32x200x128xi32, #tpu.memory_space<hbm>> -> memref<1x200x128xi32, #tpu.memory_space<hbm>>
      %dma_start3A_223 = tpu.memref_squeeze %dma_start3A_222 : memref<1x200x128xi32, #tpu.memory_space<hbm>> -> memref<200x128xi32, #tpu.memory_space<hbm>>
      %dma_start3A_224 = arith.constant 0 : i32
      %dma_start3A_225 = arith.constant 0 : i32
      %dma_start3A_226 = tpu.memref_slice %arg2[%add3A, %dma_start3A_224, %dma_start3A_225] : memref<32x200x128xi32, #tpu.memory_space<hbm>> -> memref<1x200x128xi32, #tpu.memory_space<hbm>>
      %dma_start3A_227 = tpu.memref_squeeze %dma_start3A_226 : memref<1x200x128xi32, #tpu.memory_space<hbm>> -> memref<200x128xi32, #tpu.memory_space<hbm>>
      tpu.enqueue_dma source(%dma_start3A_227 : memref<200x128xi32, #tpu.memory_space<hbm>>) target(%arg5 : memref<200x128xi32, #tpu.memory_space<vmem>>) target_semaphore(%run_scoped3A : memref<!tpu.dma_semaphore, #tpu.memory_space<semaphore_mem>>)
      %dma_wait3A_228 = arith.constant 0 : i32
      %dma_wait3A_229 = arith.constant 0 : i32
      %dma_wait3A_230 = tpu.memref_slice %arg2[%add3A, %dma_wait3A_228, %dma_wait3A_229] : memref<32x200x128xi32, #tpu.memory_space<hbm>> -> memref<1x200x128xi32, #tpu.memory_space<hbm>>
      %dma_wait3A_231 = tpu.memref_squeeze %dma_wait3A_230 : memref<1x200x128xi32, #tpu.memory_space<hbm>> -> memref<200x128xi32, #tpu.memory_space<hbm>>
      %dma_wait3A_232 = arith.constant 0 : i32
      %dma_wait3A_233 = arith.constant 0 : i32
      %dma_wait3A_234 = tpu.memref_slice %arg2[%add3A, %dma_wait3A_232, %dma_wait3A_233] : memref<32x200x128xi32, #tpu.memory_space<hbm>> -> memref<1x200x128xi32, #tpu.memory_space<hbm>>
      %dma_wait3A_235 = tpu.memref_squeeze %dma_wait3A_234 : memref<1x200x128xi32, #tpu.memory_space<hbm>> -> memref<200x128xi32, #tpu.memory_space<hbm>>
      tpu.wait_dma2 semaphore(%run_scoped3A : memref<!tpu.dma_semaphore, #tpu.memory_space<semaphore_mem>>) src(%dma_wait3A_235 : memref<200x128xi32, #tpu.memory_space<hbm>>) dst(%arg5 : memref<200x128xi32, #tpu.memory_space<vmem>>)
      tpu.yield
    }) : () -> ()
    %barrier3A = arith.constant 0 : index
    tpu.barrier barrier_id(%barrier3A)
    %dma_start3A = arith.constant 0 : i32
    %dma_start3A_9 = arith.constant 0 : i32
    %dma_start3A_10 = arith.constant 0 : i32
    %dma_start3A_11 = arith.constant 0 : i32
    %dma_start3A_12 = tpu.memref_slice %arg6[%dma_start3A_9, %dma_start3A_10, %dma_start3A_11] : memref<4x128x128xf32, #tpu.memory_space<vmem>> -> memref<1x128x128xf32, #tpu.memory_space<vmem>>
    %dma_start3A_13 = tpu.memref_squeeze %dma_start3A_12 : memref<1x128x128xf32, #tpu.memory_space<vmem>> -> memref<128x128xf32, #tpu.memory_space<vmem>>
    %dma_start3A_14 = arith.constant 0 : i32
    %dma_start3A_15 = tpu.memref_slice %arg5[%dma_start3A, %dma_start3A_14] : memref<200x128xi32, #tpu.memory_space<vmem>> -> memref<1x128xi32, #tpu.memory_space<vmem>>
    %dma_start3A_16 = tpu.memref_squeeze %dma_start3A_15 : memref<1x128xi32, #tpu.memory_space<vmem>> -> memref<128xi32, #tpu.memory_space<vmem>>
    %dma_start3A_17 = arith.constant 0 : i32
    %dma_start3A_18 = arith.constant 0 : i32
    %dma_start3A_19 = tpu.memref_slice %arg7[%dma_start3A_17, %dma_start3A_18] : memref<1002x128xf32, #tpu.memory_space<vmem_shared>> -> memref<1002x128xf32, #tpu.memory_space<vmem_shared>>
    tpu.enqueue_indirect_dma source(%dma_start3A_19 : memref<1002x128xf32, #tpu.memory_space<vmem_shared>>) target(%dma_start3A_13 : memref<128x128xf32, #tpu.memory_space<vmem>>) offsets(%dma_start3A_16 : memref<128xi32, #tpu.memory_space<vmem>>) semaphore(%arg8 : memref<!tpu.dma_semaphore, #tpu.memory_space<semaphore_mem>>)
    %dma_start3A_20 = arith.constant 1 : i32
    %dma_start3A_21 = arith.constant 1 : i32
    %dma_start3A_22 = arith.constant 0 : i32
    %dma_start3A_23 = arith.constant 0 : i32
    %dma_start3A_24 = tpu.memref_slice %arg6[%dma_start3A_21, %dma_start3A_22, %dma_start3A_23] : memref<4x128x128xf32, #tpu.memory_space<vmem>> -> memref<1x128x128xf32, #tpu.memory_space<vmem>>
    %dma_start3A_25 = tpu.memref_squeeze %dma_start3A_24 : memref<1x128x128xf32, #tpu.memory_space<vmem>> -> memref<128x128xf32, #tpu.memory_space<vmem>>
    %dma_start3A_26 = arith.constant 0 : i32
    %dma_start3A_27 = tpu.memref_slice %arg5[%dma_start3A_20, %dma_start3A_26] : memref<200x128xi32, #tpu.memory_space<vmem>> -> memref<1x128xi32, #tpu.memory_space<vmem>>
    %dma_start3A_28 = tpu.memref_squeeze %dma_start3A_27 : memref<1x128xi32, #tpu.memory_space<vmem>> -> memref<128xi32, #tpu.memory_space<vmem>>
    %dma_start3A_29 = arith.constant 0 : i32
    %dma_start3A_30 = arith.constant 0 : i32
    %dma_start3A_31 = tpu.memref_slice %arg7[%dma_start3A_29, %dma_start3A_30] : memref<1002x128xf32, #tpu.memory_space<vmem_shared>> -> memref<1002x128xf32, #tpu.memory_space<vmem_shared>>
    tpu.enqueue_indirect_dma source(%dma_start3A_31 : memref<1002x128xf32, #tpu.memory_space<vmem_shared>>) target(%dma_start3A_25 : memref<128x128xf32, #tpu.memory_space<vmem>>) offsets(%dma_start3A_28 : memref<128xi32, #tpu.memory_space<vmem>>) semaphore(%arg9 : memref<!tpu.dma_semaphore, #tpu.memory_space<semaphore_mem>>)
    %dma_start3A_32 = arith.constant 2 : i32
    %dma_start3A_33 = arith.constant 2 : i32
    %dma_start3A_34 = arith.constant 0 : i32
    %dma_start3A_35 = arith.constant 0 : i32
    %dma_start3A_36 = tpu.memref_slice %arg6[%dma_start3A_33, %dma_start3A_34, %dma_start3A_35] : memref<4x128x128xf32, #tpu.memory_space<vmem>> -> memref<1x128x128xf32, #tpu.memory_space<vmem>>
    %dma_start3A_37 = tpu.memref_squeeze %dma_start3A_36 : memref<1x128x128xf32, #tpu.memory_space<vmem>> -> memref<128x128xf32, #tpu.memory_space<vmem>>
    %dma_start3A_38 = arith.constant 0 : i32
    %dma_start3A_39 = tpu.memref_slice %arg5[%dma_start3A_32, %dma_start3A_38] : memref<200x128xi32, #tpu.memory_space<vmem>> -> memref<1x128xi32, #tpu.memory_space<vmem>>
    %dma_start3A_40 = tpu.memref_squeeze %dma_start3A_39 : memref<1x128xi32, #tpu.memory_space<vmem>> -> memref<128xi32, #tpu.memory_space<vmem>>
    %dma_start3A_41 = arith.constant 0 : i32
    %dma_start3A_42 = arith.constant 0 : i32
    %dma_start3A_43 = tpu.memref_slice %arg7[%dma_start3A_41, %dma_start3A_42] : memref<1002x128xf32, #tpu.memory_space<vmem_shared>> -> memref<1002x128xf32, #tpu.memory_space<vmem_shared>>
    tpu.enqueue_indirect_dma source(%dma_start3A_43 : memref<1002x128xf32, #tpu.memory_space<vmem_shared>>) target(%dma_start3A_37 : memref<128x128xf32, #tpu.memory_space<vmem>>) offsets(%dma_start3A_40 : memref<128xi32, #tpu.memory_space<vmem>>) semaphore(%arg10 : memref<!tpu.dma_semaphore, #tpu.memory_space<semaphore_mem>>)
    %dma_start3A_44 = arith.constant 3 : i32
    %dma_start3A_45 = arith.constant 3 : i32
    %dma_start3A_46 = arith.constant 0 : i32
    %dma_start3A_47 = arith.constant 0 : i32
    %dma_start3A_48 = tpu.memref_slice %arg6[%dma_start3A_45, %dma_start3A_46, %dma_start3A_47] : memref<4x128x128xf32, #tpu.memory_space<vmem>> -> memref<1x128x128xf32, #tpu.memory_space<vmem>>
    %dma_start3A_49 = tpu.memref_squeeze %dma_start3A_48 : memref<1x128x128xf32, #tpu.memory_space<vmem>> -> memref<128x128xf32, #tpu.memory_space<vmem>>
    %dma_start3A_50 = arith.constant 0 : i32
    %dma_start3A_51 = tpu.memref_slice %arg5[%dma_start3A_44, %dma_start3A_50] : memref<200x128xi32, #tpu.memory_space<vmem>> -> memref<1x128xi32, #tpu.memory_space<vmem>>
    %dma_start3A_52 = tpu.memref_squeeze %dma_start3A_51 : memref<1x128xi32, #tpu.memory_space<vmem>> -> memref<128xi32, #tpu.memory_space<vmem>>
    %dma_start3A_53 = arith.constant 0 : i32
    %dma_start3A_54 = arith.constant 0 : i32
    %dma_start3A_55 = tpu.memref_slice %arg7[%dma_start3A_53, %dma_start3A_54] : memref<1002x128xf32, #tpu.memory_space<vmem_shared>> -> memref<1002x128xf32, #tpu.memory_space<vmem_shared>>
    tpu.enqueue_indirect_dma source(%dma_start3A_55 : memref<1002x128xf32, #tpu.memory_space<vmem_shared>>) target(%dma_start3A_49 : memref<128x128xf32, #tpu.memory_space<vmem>>) offsets(%dma_start3A_52 : memref<128xi32, #tpu.memory_space<vmem>>) semaphore(%arg11 : memref<!tpu.dma_semaphore, #tpu.memory_space<semaphore_mem>>)
    %scan3A = arith.constant 0 : i32
    %scan3A_56 = arith.constant 0 : i32
    %scan3A_57 = arith.constant 49 : i32
    %scan3A_58 = arith.addi %scan3A_56, %scan3A_57 : i32
    %scan3A_59 = arith.constant 1 : i32
    scf.for %scan3A_220 = %scan3A_56 to %scan3A_58 step %scan3A_59  : i32 {
      %mul3A_221 = arith.constant 4 : i32
      %mul3A_222 = arith.muli %scan3A_220, %mul3A_221 : i32
      %dma_wait3A_223 = arith.constant 0 : i32
      %dma_wait3A_224 = arith.constant 0 : i32
      %dma_wait3A_225 = arith.constant 0 : i32
      %dma_wait3A_226 = arith.constant 0 : i32
      %dma_wait3A_227 = tpu.memref_slice %arg6[%dma_wait3A_224, %dma_wait3A_225, %dma_wait3A_226] : memref<4x128x128xf32, #tpu.memory_space<vmem>> -> memref<1x128x128xf32, #tpu.memory_space<vmem>>
      %dma_wait3A_228 = tpu.memref_squeeze %dma_wait3A_227 : memref<1x128x128xf32, #tpu.memory_space<vmem>> -> memref<128x128xf32, #tpu.memory_space<vmem>>
      %dma_wait3A_229 = arith.constant 0 : i32
      %dma_wait3A_230 = tpu.memref_slice %arg5[%dma_wait3A_223, %dma_wait3A_229] : memref<200x128xi32, #tpu.memory_space<vmem>> -> memref<1x128xi32, #tpu.memory_space<vmem>>
      %dma_wait3A_231 = tpu.memref_squeeze %dma_wait3A_230 : memref<1x128xi32, #tpu.memory_space<vmem>> -> memref<128xi32, #tpu.memory_space<vmem>>
      %dma_wait3A_232 = arith.constant 0 : i32
      %dma_wait3A_233 = arith.constant 0 : i32
      %dma_wait3A_234 = tpu.memref_slice %arg7[%dma_wait3A_232, %dma_wait3A_233] : memref<1002x128xf32, #tpu.memory_space<vmem_shared>> -> memref<1002x128xf32, #tpu.memory_space<vmem_shared>>
      tpu.wait_indirect_dma semaphore(%arg8 : memref<!tpu.dma_semaphore, #tpu.memory_space<semaphore_mem>>) src(%dma_wait3A_234 : memref<1002x128xf32, #tpu.memory_space<vmem_shared>>) dst(%dma_wait3A_228 : memref<128x128xf32, #tpu.memory_space<vmem>>)
      %add3A_235 = arith.constant 0 : i32
      %add3A_236 = arith.addi %mul3A_222, %add3A_235 : i32
      %mul3A_237 = arith.constant 128 : i32
      %mul3A_238 = arith.muli %add3A_236, %mul3A_237 : i32
      %add3A_239 = arith.addi %mul3A_2, %mul3A_238 : i32
      %dma_start3A_240 = arith.constant 0 : i32
      %dma_start3A_241 = arith.constant 0 : i32
      %dma_start3A_242 = arith.constant 0 : i32
      %dma_start3A_243 = tpu.memref_slice %arg6[%dma_start3A_240, %dma_start3A_241, %dma_start3A_242] : memref<4x128x128xf32, #tpu.memory_space<vmem>> -> memref<1x128x128xf32, #tpu.memory_space<vmem>>
      %dma_start3A_244 = tpu.memref_squeeze %dma_start3A_243 : memref<1x128x128xf32, #tpu.memory_space<vmem>> -> memref<128x128xf32, #tpu.memory_space<vmem>>
      %dma_start3A_245 = arith.constant 0 : i32
      %dma_start3A_246 = tpu.memref_slice %arg4[%add3A_239, %dma_start3A_245] : memref<819200x128xf32, #tpu.memory_space<hbm>> -> memref<128x128xf32, #tpu.memory_space<hbm>>
      %dma_start3A_247 = arith.constant 0 : i32
      %dma_start3A_248 = tpu.memref_slice %arg4[%add3A_239, %dma_start3A_247] : memref<819200x128xf32, #tpu.memory_space<hbm>> -> memref<128x128xf32, #tpu.memory_space<hbm>>
      %dma_start3A_249 = arith.constant 0 : i32
      %dma_start3A_250 = arith.constant 0 : i32
      %dma_start3A_251 = tpu.memref_slice %arg6[%dma_start3A_240, %dma_start3A_249, %dma_start3A_250] : memref<4x128x128xf32, #tpu.memory_space<vmem>> -> memref<1x128x128xf32, #tpu.memory_space<vmem>>
      %dma_start3A_252 = tpu.memref_squeeze %dma_start3A_251 : memref<1x128x128xf32, #tpu.memory_space<vmem>> -> memref<128x128xf32, #tpu.memory_space<vmem>>
      tpu.enqueue_dma source(%dma_start3A_252 : memref<128x128xf32, #tpu.memory_space<vmem>>) target(%dma_start3A_248 : memref<128x128xf32, #tpu.memory_space<hbm>>) target_semaphore(%arg12 : memref<!tpu.dma_semaphore, #tpu.memory_space<semaphore_mem>>)
      %dma_wait3A_253 = arith.constant 0 : i32
      %dma_wait3A_254 = arith.constant 1 : i32
      %dma_wait3A_255 = arith.constant 0 : i32
      %dma_wait3A_256 = arith.constant 0 : i32
      %dma_wait3A_257 = tpu.memref_slice %arg6[%dma_wait3A_254, %dma_wait3A_255, %dma_wait3A_256] : memref<4x128x128xf32, #tpu.memory_space<vmem>> -> memref<1x128x128xf32, #tpu.memory_space<vmem>>
      %dma_wait3A_258 = tpu.memref_squeeze %dma_wait3A_257 : memref<1x128x128xf32, #tpu.memory_space<vmem>> -> memref<128x128xf32, #tpu.memory_space<vmem>>
      %dma_wait3A_259 = arith.constant 0 : i32
      %dma_wait3A_260 = tpu.memref_slice %arg5[%dma_wait3A_253, %dma_wait3A_259] : memref<200x128xi32, #tpu.memory_space<vmem>> -> memref<1x128xi32, #tpu.memory_space<vmem>>
      %dma_wait3A_261 = tpu.memref_squeeze %dma_wait3A_260 : memref<1x128xi32, #tpu.memory_space<vmem>> -> memref<128xi32, #tpu.memory_space<vmem>>
      %dma_wait3A_262 = arith.constant 0 : i32
      %dma_wait3A_263 = arith.constant 0 : i32
      %dma_wait3A_264 = tpu.memref_slice %arg7[%dma_wait3A_262, %dma_wait3A_263] : memref<1002x128xf32, #tpu.memory_space<vmem_shared>> -> memref<1002x128xf32, #tpu.memory_space<vmem_shared>>
      tpu.wait_indirect_dma semaphore(%arg9 : memref<!tpu.dma_semaphore, #tpu.memory_space<semaphore_mem>>) src(%dma_wait3A_264 : memref<1002x128xf32, #tpu.memory_space<vmem_shared>>) dst(%dma_wait3A_258 : memref<128x128xf32, #tpu.memory_space<vmem>>)
      %add3A_265 = arith.constant 1 : i32
      %add3A_266 = arith.addi %mul3A_222, %add3A_265 : i32
      %mul3A_267 = arith.constant 128 : i32
      %mul3A_268 = arith.muli %add3A_266, %mul3A_267 : i32
      %add3A_269 = arith.addi %mul3A_2, %mul3A_268 : i32
      %dma_start3A_270 = arith.constant 1 : i32
      %dma_start3A_271 = arith.constant 0 : i32
      %dma_start3A_272 = arith.constant 0 : i32
      %dma_start3A_273 = tpu.memref_slice %arg6[%dma_start3A_270, %dma_start3A_271, %dma_start3A_272] : memref<4x128x128xf32, #tpu.memory_space<vmem>> -> memref<1x128x128xf32, #tpu.memory_space<vmem>>
      %dma_start3A_274 = tpu.memref_squeeze %dma_start3A_273 : memref<1x128x128xf32, #tpu.memory_space<vmem>> -> memref<128x128xf32, #tpu.memory_space<vmem>>
      %dma_start3A_275 = arith.constant 0 : i32
      %dma_start3A_276 = tpu.memref_slice %arg4[%add3A_269, %dma_start3A_275] : memref<819200x128xf32, #tpu.memory_space<hbm>> -> memref<128x128xf32, #tpu.memory_space<hbm>>
      %dma_start3A_277 = arith.constant 0 : i32
      %dma_start3A_278 = tpu.memref_slice %arg4[%add3A_269, %dma_start3A_277] : memref<819200x128xf32, #tpu.memory_space<hbm>> -> memref<128x128xf32, #tpu.memory_space<hbm>>
      %dma_start3A_279 = arith.constant 0 : i32
      %dma_start3A_280 = arith.constant 0 : i32
      %dma_start3A_281 = tpu.memref_slice %arg6[%dma_start3A_270, %dma_start3A_279, %dma_start3A_280] : memref<4x128x128xf32, #tpu.memory_space<vmem>> -> memref<1x128x128xf32, #tpu.memory_space<vmem>>
      %dma_start3A_282 = tpu.memref_squeeze %dma_start3A_281 : memref<1x128x128xf32, #tpu.memory_space<vmem>> -> memref<128x128xf32, #tpu.memory_space<vmem>>
      tpu.enqueue_dma source(%dma_start3A_282 : memref<128x128xf32, #tpu.memory_space<vmem>>) target(%dma_start3A_278 : memref<128x128xf32, #tpu.memory_space<hbm>>) target_semaphore(%arg13 : memref<!tpu.dma_semaphore, #tpu.memory_space<semaphore_mem>>)
      %dma_wait3A_283 = arith.constant 0 : i32
      %dma_wait3A_284 = arith.constant 2 : i32
      %dma_wait3A_285 = arith.constant 0 : i32
      %dma_wait3A_286 = arith.constant 0 : i32
      %dma_wait3A_287 = tpu.memref_slice %arg6[%dma_wait3A_284, %dma_wait3A_285, %dma_wait3A_286] : memref<4x128x128xf32, #tpu.memory_space<vmem>> -> memref<1x128x128xf32, #tpu.memory_space<vmem>>
      %dma_wait3A_288 = tpu.memref_squeeze %dma_wait3A_287 : memref<1x128x128xf32, #tpu.memory_space<vmem>> -> memref<128x128xf32, #tpu.memory_space<vmem>>
      %dma_wait3A_289 = arith.constant 0 : i32
      %dma_wait3A_290 = tpu.memref_slice %arg5[%dma_wait3A_283, %dma_wait3A_289] : memref<200x128xi32, #tpu.memory_space<vmem>> -> memref<1x128xi32, #tpu.memory_space<vmem>>
      %dma_wait3A_291 = tpu.memref_squeeze %dma_wait3A_290 : memref<1x128xi32, #tpu.memory_space<vmem>> -> memref<128xi32, #tpu.memory_space<vmem>>
      %dma_wait3A_292 = arith.constant 0 : i32
      %dma_wait3A_293 = arith.constant 0 : i32
      %dma_wait3A_294 = tpu.memref_slice %arg7[%dma_wait3A_292, %dma_wait3A_293] : memref<1002x128xf32, #tpu.memory_space<vmem_shared>> -> memref<1002x128xf32, #tpu.memory_space<vmem_shared>>
      tpu.wait_indirect_dma semaphore(%arg10 : memref<!tpu.dma_semaphore, #tpu.memory_space<semaphore_mem>>) src(%dma_wait3A_294 : memref<1002x128xf32, #tpu.memory_space<vmem_shared>>) dst(%dma_wait3A_288 : memref<128x128xf32, #tpu.memory_space<vmem>>)
      %add3A_295 = arith.constant 2 : i32
      %add3A_296 = arith.addi %mul3A_222, %add3A_295 : i32
      %mul3A_297 = arith.constant 128 : i32
      %mul3A_298 = arith.muli %add3A_296, %mul3A_297 : i32
      %add3A_299 = arith.addi %mul3A_2, %mul3A_298 : i32
      %dma_start3A_300 = arith.constant 2 : i32
      %dma_start3A_301 = arith.constant 0 : i32
      %dma_start3A_302 = arith.constant 0 : i32
      %dma_start3A_303 = tpu.memref_slice %arg6[%dma_start3A_300, %dma_start3A_301, %dma_start3A_302] : memref<4x128x128xf32, #tpu.memory_space<vmem>> -> memref<1x128x128xf32, #tpu.memory_space<vmem>>
      %dma_start3A_304 = tpu.memref_squeeze %dma_start3A_303 : memref<1x128x128xf32, #tpu.memory_space<vmem>> -> memref<128x128xf32, #tpu.memory_space<vmem>>
      %dma_start3A_305 = arith.constant 0 : i32
      %dma_start3A_306 = tpu.memref_slice %arg4[%add3A_299, %dma_start3A_305] : memref<819200x128xf32, #tpu.memory_space<hbm>> -> memref<128x128xf32, #tpu.memory_space<hbm>>
      %dma_start3A_307 = arith.constant 0 : i32
      %dma_start3A_308 = tpu.memref_slice %arg4[%add3A_299, %dma_start3A_307] : memref<819200x128xf32, #tpu.memory_space<hbm>> -> memref<128x128xf32, #tpu.memory_space<hbm>>
      %dma_start3A_309 = arith.constant 0 : i32
      %dma_start3A_310 = arith.constant 0 : i32
      %dma_start3A_311 = tpu.memref_slice %arg6[%dma_start3A_300, %dma_start3A_309, %dma_start3A_310] : memref<4x128x128xf32, #tpu.memory_space<vmem>> -> memref<1x128x128xf32, #tpu.memory_space<vmem>>
      %dma_start3A_312 = tpu.memref_squeeze %dma_start3A_311 : memref<1x128x128xf32, #tpu.memory_space<vmem>> -> memref<128x128xf32, #tpu.memory_space<vmem>>
      tpu.enqueue_dma source(%dma_start3A_312 : memref<128x128xf32, #tpu.memory_space<vmem>>) target(%dma_start3A_308 : memref<128x128xf32, #tpu.memory_space<hbm>>) target_semaphore(%arg14 : memref<!tpu.dma_semaphore, #tpu.memory_space<semaphore_mem>>)
      %dma_wait3A_313 = arith.constant 0 : i32
      %dma_wait3A_314 = arith.constant 3 : i32
      %dma_wait3A_315 = arith.constant 0 : i32
      %dma_wait3A_316 = arith.constant 0 : i32
      %dma_wait3A_317 = tpu.memref_slice %arg6[%dma_wait3A_314, %dma_wait3A_315, %dma_wait3A_316] : memref<4x128x128xf32, #tpu.memory_space<vmem>> -> memref<1x128x128xf32, #tpu.memory_space<vmem>>
      %dma_wait3A_318 = tpu.memref_squeeze %dma_wait3A_317 : memref<1x128x128xf32, #tpu.memory_space<vmem>> -> memref<128x128xf32, #tpu.memory_space<vmem>>
      %dma_wait3A_319 = arith.constant 0 : i32
      %dma_wait3A_320 = tpu.memref_slice %arg5[%dma_wait3A_313, %dma_wait3A_319] : memref<200x128xi32, #tpu.memory_space<vmem>> -> memref<1x128xi32, #tpu.memory_space<vmem>>
      %dma_wait3A_321 = tpu.memref_squeeze %dma_wait3A_320 : memref<1x128xi32, #tpu.memory_space<vmem>> -> memref<128xi32, #tpu.memory_space<vmem>>
      %dma_wait3A_322 = arith.constant 0 : i32
      %dma_wait3A_323 = arith.constant 0 : i32
      %dma_wait3A_324 = tpu.memref_slice %arg7[%dma_wait3A_322, %dma_wait3A_323] : memref<1002x128xf32, #tpu.memory_space<vmem_shared>> -> memref<1002x128xf32, #tpu.memory_space<vmem_shared>>
      tpu.wait_indirect_dma semaphore(%arg11 : memref<!tpu.dma_semaphore, #tpu.memory_space<semaphore_mem>>) src(%dma_wait3A_324 : memref<1002x128xf32, #tpu.memory_space<vmem_shared>>) dst(%dma_wait3A_318 : memref<128x128xf32, #tpu.memory_space<vmem>>)
      %add3A_325 = arith.constant 3 : i32
      %add3A_326 = arith.addi %mul3A_222, %add3A_325 : i32
      %mul3A_327 = arith.constant 128 : i32
      %mul3A_328 = arith.muli %add3A_326, %mul3A_327 : i32
      %add3A_329 = arith.addi %mul3A_2, %mul3A_328 : i32
      %dma_start3A_330 = arith.constant 3 : i32
      %dma_start3A_331 = arith.constant 0 : i32
      %dma_start3A_332 = arith.constant 0 : i32
      %dma_start3A_333 = tpu.memref_slice %arg6[%dma_start3A_330, %dma_start3A_331, %dma_start3A_332] : memref<4x128x128xf32, #tpu.memory_space<vmem>> -> memref<1x128x128xf32, #tpu.memory_space<vmem>>
      %dma_start3A_334 = tpu.memref_squeeze %dma_start3A_333 : memref<1x128x128xf32, #tpu.memory_space<vmem>> -> memref<128x128xf32, #tpu.memory_space<vmem>>
      %dma_start3A_335 = arith.constant 0 : i32
      %dma_start3A_336 = tpu.memref_slice %arg4[%add3A_329, %dma_start3A_335] : memref<819200x128xf32, #tpu.memory_space<hbm>> -> memref<128x128xf32, #tpu.memory_space<hbm>>
      %dma_start3A_337 = arith.constant 0 : i32
      %dma_start3A_338 = tpu.memref_slice %arg4[%add3A_329, %dma_start3A_337] : memref<819200x128xf32, #tpu.memory_space<hbm>> -> memref<128x128xf32, #tpu.memory_space<hbm>>
      %dma_start3A_339 = arith.constant 0 : i32
      %dma_start3A_340 = arith.constant 0 : i32
      %dma_start3A_341 = tpu.memref_slice %arg6[%dma_start3A_330, %dma_start3A_339, %dma_start3A_340] : memref<4x128x128xf32, #tpu.memory_space<vmem>> -> memref<1x128x128xf32, #tpu.memory_space<vmem>>
      %dma_start3A_342 = tpu.memref_squeeze %dma_start3A_341 : memref<1x128x128xf32, #tpu.memory_space<vmem>> -> memref<128x128xf32, #tpu.memory_space<vmem>>
      tpu.enqueue_dma source(%dma_start3A_342 : memref<128x128xf32, #tpu.memory_space<vmem>>) target(%dma_start3A_338 : memref<128x128xf32, #tpu.memory_space<hbm>>) target_semaphore(%arg15 : memref<!tpu.dma_semaphore, #tpu.memory_space<semaphore_mem>>)
      %dma_wait3A_343 = arith.constant 0 : i32
      %dma_wait3A_344 = arith.constant 0 : i32
      %dma_wait3A_345 = arith.constant 0 : i32
      %dma_wait3A_346 = tpu.memref_slice %arg6[%dma_wait3A_343, %dma_wait3A_344, %dma_wait3A_345] : memref<4x128x128xf32, #tpu.memory_space<vmem>> -> memref<1x128x128xf32, #tpu.memory_space<vmem>>
      %dma_wait3A_347 = tpu.memref_squeeze %dma_wait3A_346 : memref<1x128x128xf32, #tpu.memory_space<vmem>> -> memref<128x128xf32, #tpu.memory_space<vmem>>
      %dma_wait3A_348 = arith.constant 0 : i32
      %dma_wait3A_349 = tpu.memref_slice %arg4[%mul3A_2, %dma_wait3A_348] : memref<819200x128xf32, #tpu.memory_space<hbm>> -> memref<128x128xf32, #tpu.memory_space<hbm>>
      %dma_wait3A_350 = arith.constant 0 : i32
      %dma_wait3A_351 = tpu.memref_slice %arg4[%mul3A_2, %dma_wait3A_350] : memref<819200x128xf32, #tpu.memory_space<hbm>> -> memref<128x128xf32, #tpu.memory_space<hbm>>
      %dma_wait3A_352 = arith.constant 0 : i32
      %dma_wait3A_353 = arith.constant 0 : i32
      %dma_wait3A_354 = tpu.memref_slice %arg6[%dma_wait3A_343, %dma_wait3A_352, %dma_wait3A_353] : memref<4x128x128xf32, #tpu.memory_space<vmem>> -> memref<1x128x128xf32, #tpu.memory_space<vmem>>
      %dma_wait3A_355 = tpu.memref_squeeze %dma_wait3A_354 : memref<1x128x128xf32, #tpu.memory_space<vmem>> -> memref<128x128xf32, #tpu.memory_space<vmem>>
      tpu.wait_dma2 semaphore(%arg12 : memref<!tpu.dma_semaphore, #tpu.memory_space<semaphore_mem>>) src(%dma_wait3A_355 : memref<128x128xf32, #tpu.memory_space<vmem>>) dst(%dma_wait3A_351 : memref<128x128xf32, #tpu.memory_space<hbm>>)
      %add3A_356 = arith.constant 4 : i32
      %add3A_357 = arith.addi %mul3A_222, %add3A_356 : i32
      %add3A_358 = arith.constant 0 : i32
      %add3A_359 = arith.addi %add3A_357, %add3A_358 : i32
      %dma_start3A_360 = arith.constant 0 : i32
      %dma_start3A_361 = arith.constant 0 : i32
      %dma_start3A_362 = arith.constant 0 : i32
      %dma_start3A_363 = tpu.memref_slice %arg6[%dma_start3A_360, %dma_start3A_361, %dma_start3A_362] : memref<4x128x128xf32, #tpu.memory_space<vmem>> -> memref<1x128x128xf32, #tpu.memory_space<vmem>>
      %dma_start3A_364 = tpu.memref_squeeze %dma_start3A_363 : memref<1x128x128xf32, #tpu.memory_space<vmem>> -> memref<128x128xf32, #tpu.memory_space<vmem>>
      %dma_start3A_365 = arith.constant 0 : i32
      %dma_start3A_366 = tpu.memref_slice %arg5[%add3A_359, %dma_start3A_365] : memref<200x128xi32, #tpu.memory_space<vmem>> -> memref<1x128xi32, #tpu.memory_space<vmem>>
      %dma_start3A_367 = tpu.memref_squeeze %dma_start3A_366 : memref<1x128xi32, #tpu.memory_space<vmem>> -> memref<128xi32, #tpu.memory_space<vmem>>
      %dma_start3A_368 = arith.constant 0 : i32
      %dma_start3A_369 = arith.constant 0 : i32
      %dma_start3A_370 = tpu.memref_slice %arg7[%dma_start3A_368, %dma_start3A_369] : memref<1002x128xf32, #tpu.memory_space<vmem_shared>> -> memref<1002x128xf32, #tpu.memory_space<vmem_shared>>
      tpu.enqueue_indirect_dma source(%dma_start3A_370 : memref<1002x128xf32, #tpu.memory_space<vmem_shared>>) target(%dma_start3A_364 : memref<128x128xf32, #tpu.memory_space<vmem>>) offsets(%dma_start3A_367 : memref<128xi32, #tpu.memory_space<vmem>>) semaphore(%arg8 : memref<!tpu.dma_semaphore, #tpu.memory_space<semaphore_mem>>)
      %dma_wait3A_371 = arith.constant 1 : i32
      %dma_wait3A_372 = arith.constant 0 : i32
      %dma_wait3A_373 = arith.constant 0 : i32
      %dma_wait3A_374 = tpu.memref_slice %arg6[%dma_wait3A_371, %dma_wait3A_372, %dma_wait3A_373] : memref<4x128x128xf32, #tpu.memory_space<vmem>> -> memref<1x128x128xf32, #tpu.memory_space<vmem>>
      %dma_wait3A_375 = tpu.memref_squeeze %dma_wait3A_374 : memref<1x128x128xf32, #tpu.memory_space<vmem>> -> memref<128x128xf32, #tpu.memory_space<vmem>>
      %dma_wait3A_376 = arith.constant 0 : i32
      %dma_wait3A_377 = tpu.memref_slice %arg4[%mul3A_2, %dma_wait3A_376] : memref<819200x128xf32, #tpu.memory_space<hbm>> -> memref<128x128xf32, #tpu.memory_space<hbm>>
      %dma_wait3A_378 = arith.constant 0 : i32
      %dma_wait3A_379 = tpu.memref_slice %arg4[%mul3A_2, %dma_wait3A_378] : memref<819200x128xf32, #tpu.memory_space<hbm>> -> memref<128x128xf32, #tpu.memory_space<hbm>>
      %dma_wait3A_380 = arith.constant 0 : i32
      %dma_wait3A_381 = arith.constant 0 : i32
      %dma_wait3A_382 = tpu.memref_slice %arg6[%dma_wait3A_371, %dma_wait3A_380, %dma_wait3A_381] : memref<4x128x128xf32, #tpu.memory_space<vmem>> -> memref<1x128x128xf32, #tpu.memory_space<vmem>>
      %dma_wait3A_383 = tpu.memref_squeeze %dma_wait3A_382 : memref<1x128x128xf32, #tpu.memory_space<vmem>> -> memref<128x128xf32, #tpu.memory_space<vmem>>
      tpu.wait_dma2 semaphore(%arg13 : memref<!tpu.dma_semaphore, #tpu.memory_space<semaphore_mem>>) src(%dma_wait3A_383 : memref<128x128xf32, #tpu.memory_space<vmem>>) dst(%dma_wait3A_379 : memref<128x128xf32, #tpu.memory_space<hbm>>)
      %add3A_384 = arith.constant 4 : i32
      %add3A_385 = arith.addi %mul3A_222, %add3A_384 : i32
      %add3A_386 = arith.constant 1 : i32
      %add3A_387 = arith.addi %add3A_385, %add3A_386 : i32
      %dma_start3A_388 = arith.constant 1 : i32
      %dma_start3A_389 = arith.constant 0 : i32
      %dma_start3A_390 = arith.constant 0 : i32
      %dma_start3A_391 = tpu.memref_slice %arg6[%dma_start3A_388, %dma_start3A_389, %dma_start3A_390] : memref<4x128x128xf32, #tpu.memory_space<vmem>> -> memref<1x128x128xf32, #tpu.memory_space<vmem>>
      %dma_start3A_392 = tpu.memref_squeeze %dma_start3A_391 : memref<1x128x128xf32, #tpu.memory_space<vmem>> -> memref<128x128xf32, #tpu.memory_space<vmem>>
      %dma_start3A_393 = arith.constant 0 : i32
      %dma_start3A_394 = tpu.memref_slice %arg5[%add3A_387, %dma_start3A_393] : memref<200x128xi32, #tpu.memory_space<vmem>> -> memref<1x128xi32, #tpu.memory_space<vmem>>
      %dma_start3A_395 = tpu.memref_squeeze %dma_start3A_394 : memref<1x128xi32, #tpu.memory_space<vmem>> -> memref<128xi32, #tpu.memory_space<vmem>>
      %dma_start3A_396 = arith.constant 0 : i32
      %dma_start3A_397 = arith.constant 0 : i32
      %dma_start3A_398 = tpu.memref_slice %arg7[%dma_start3A_396, %dma_start3A_397] : memref<1002x128xf32, #tpu.memory_space<vmem_shared>> -> memref<1002x128xf32, #tpu.memory_space<vmem_shared>>
      tpu.enqueue_indirect_dma source(%dma_start3A_398 : memref<1002x128xf32, #tpu.memory_space<vmem_shared>>) target(%dma_start3A_392 : memref<128x128xf32, #tpu.memory_space<vmem>>) offsets(%dma_start3A_395 : memref<128xi32, #tpu.memory_space<vmem>>) semaphore(%arg9 : memref<!tpu.dma_semaphore, #tpu.memory_space<semaphore_mem>>)
      %dma_wait3A_399 = arith.constant 2 : i32
      %dma_wait3A_400 = arith.constant 0 : i32
      %dma_wait3A_401 = arith.constant 0 : i32
      %dma_wait3A_402 = tpu.memref_slice %arg6[%dma_wait3A_399, %dma_wait3A_400, %dma_wait3A_401] : memref<4x128x128xf32, #tpu.memory_space<vmem>> -> memref<1x128x128xf32, #tpu.memory_space<vmem>>
      %dma_wait3A_403 = tpu.memref_squeeze %dma_wait3A_402 : memref<1x128x128xf32, #tpu.memory_space<vmem>> -> memref<128x128xf32, #tpu.memory_space<vmem>>
      %dma_wait3A_404 = arith.constant 0 : i32
      %dma_wait3A_405 = tpu.memref_slice %arg4[%mul3A_2, %dma_wait3A_404] : memref<819200x128xf32, #tpu.memory_space<hbm>> -> memref<128x128xf32, #tpu.memory_space<hbm>>
      %dma_wait3A_406 = arith.constant 0 : i32
      %dma_wait3A_407 = tpu.memref_slice %arg4[%mul3A_2, %dma_wait3A_406] : memref<819200x128xf32, #tpu.memory_space<hbm>> -> memref<128x128xf32, #tpu.memory_space<hbm>>
      %dma_wait3A_408 = arith.constant 0 : i32
      %dma_wait3A_409 = arith.constant 0 : i32
      %dma_wait3A_410 = tpu.memref_slice %arg6[%dma_wait3A_399, %dma_wait3A_408, %dma_wait3A_409] : memref<4x128x128xf32, #tpu.memory_space<vmem>> -> memref<1x128x128xf32, #tpu.memory_space<vmem>>
      %dma_wait3A_411 = tpu.memref_squeeze %dma_wait3A_410 : memref<1x128x128xf32, #tpu.memory_space<vmem>> -> memref<128x128xf32, #tpu.memory_space<vmem>>
      tpu.wait_dma2 semaphore(%arg14 : memref<!tpu.dma_semaphore, #tpu.memory_space<semaphore_mem>>) src(%dma_wait3A_411 : memref<128x128xf32, #tpu.memory_space<vmem>>) dst(%dma_wait3A_407 : memref<128x128xf32, #tpu.memory_space<hbm>>)
      %add3A_412 = arith.constant 4 : i32
      %add3A_413 = arith.addi %mul3A_222, %add3A_412 : i32
      %add3A_414 = arith.constant 2 : i32
      %add3A_415 = arith.addi %add3A_413, %add3A_414 : i32
      %dma_start3A_416 = arith.constant 2 : i32
      %dma_start3A_417 = arith.constant 0 : i32
      %dma_start3A_418 = arith.constant 0 : i32
      %dma_start3A_419 = tpu.memref_slice %arg6[%dma_start3A_416, %dma_start3A_417, %dma_start3A_418] : memref<4x128x128xf32, #tpu.memory_space<vmem>> -> memref<1x128x128xf32, #tpu.memory_space<vmem>>
      %dma_start3A_420 = tpu.memref_squeeze %dma_start3A_419 : memref<1x128x128xf32, #tpu.memory_space<vmem>> -> memref<128x128xf32, #tpu.memory_space<vmem>>
      %dma_start3A_421 = arith.constant 0 : i32
      %dma_start3A_422 = tpu.memref_slice %arg5[%add3A_415, %dma_start3A_421] : memref<200x128xi32, #tpu.memory_space<vmem>> -> memref<1x128xi32, #tpu.memory_space<vmem>>
      %dma_start3A_423 = tpu.memref_squeeze %dma_start3A_422 : memref<1x128xi32, #tpu.memory_space<vmem>> -> memref<128xi32, #tpu.memory_space<vmem>>
      %dma_start3A_424 = arith.constant 0 : i32
      %dma_start3A_425 = arith.constant 0 : i32
      %dma_start3A_426 = tpu.memref_slice %arg7[%dma_start3A_424, %dma_start3A_425] : memref<1002x128xf32, #tpu.memory_space<vmem_shared>> -> memref<1002x128xf32, #tpu.memory_space<vmem_shared>>
      tpu.enqueue_indirect_dma source(%dma_start3A_426 : memref<1002x128xf32, #tpu.memory_space<vmem_shared>>) target(%dma_start3A_420 : memref<128x128xf32, #tpu.memory_space<vmem>>) offsets(%dma_start3A_423 : memref<128xi32, #tpu.memory_space<vmem>>) semaphore(%arg10 : memref<!tpu.dma_semaphore, #tpu.memory_space<semaphore_mem>>)
      %dma_wait3A_427 = arith.constant 3 : i32
      %dma_wait3A_428 = arith.constant 0 : i32
      %dma_wait3A_429 = arith.constant 0 : i32
      %dma_wait3A_430 = tpu.memref_slice %arg6[%dma_wait3A_427, %dma_wait3A_428, %dma_wait3A_429] : memref<4x128x128xf32, #tpu.memory_space<vmem>> -> memref<1x128x128xf32, #tpu.memory_space<vmem>>
      %dma_wait3A_431 = tpu.memref_squeeze %dma_wait3A_430 : memref<1x128x128xf32, #tpu.memory_space<vmem>> -> memref<128x128xf32, #tpu.memory_space<vmem>>
      %dma_wait3A_432 = arith.constant 0 : i32
      %dma_wait3A_433 = tpu.memref_slice %arg4[%mul3A_2, %dma_wait3A_432] : memref<819200x128xf32, #tpu.memory_space<hbm>> -> memref<128x128xf32, #tpu.memory_space<hbm>>
      %dma_wait3A_434 = arith.constant 0 : i32
      %dma_wait3A_435 = tpu.memref_slice %arg4[%mul3A_2, %dma_wait3A_434] : memref<819200x128xf32, #tpu.memory_space<hbm>> -> memref<128x128xf32, #tpu.memory_space<hbm>>
      %dma_wait3A_436 = arith.constant 0 : i32
      %dma_wait3A_437 = arith.constant 0 : i32
      %dma_wait3A_438 = tpu.memref_slice %arg6[%dma_wait3A_427, %dma_wait3A_436, %dma_wait3A_437] : memref<4x128x128xf32, #tpu.memory_space<vmem>> -> memref<1x128x128xf32, #tpu.memory_space<vmem>>
      %dma_wait3A_439 = tpu.memref_squeeze %dma_wait3A_438 : memref<1x128x128xf32, #tpu.memory_space<vmem>> -> memref<128x128xf32, #tpu.memory_space<vmem>>
      tpu.wait_dma2 semaphore(%arg15 : memref<!tpu.dma_semaphore, #tpu.memory_space<semaphore_mem>>) src(%dma_wait3A_439 : memref<128x128xf32, #tpu.memory_space<vmem>>) dst(%dma_wait3A_435 : memref<128x128xf32, #tpu.memory_space<hbm>>)
      %add3A_440 = arith.constant 4 : i32
      %add3A_441 = arith.addi %mul3A_222, %add3A_440 : i32
      %add3A_442 = arith.constant 3 : i32
      %add3A_443 = arith.addi %add3A_441, %add3A_442 : i32
      %dma_start3A_444 = arith.constant 3 : i32
      %dma_start3A_445 = arith.constant 0 : i32
      %dma_start3A_446 = arith.constant 0 : i32
      %dma_start3A_447 = tpu.memref_slice %arg6[%dma_start3A_444, %dma_start3A_445, %dma_start3A_446] : memref<4x128x128xf32, #tpu.memory_space<vmem>> -> memref<1x128x128xf32, #tpu.memory_space<vmem>>
      %dma_start3A_448 = tpu.memref_squeeze %dma_start3A_447 : memref<1x128x128xf32, #tpu.memory_space<vmem>> -> memref<128x128xf32, #tpu.memory_space<vmem>>
      %dma_start3A_449 = arith.constant 0 : i32
      %dma_start3A_450 = tpu.memref_slice %arg5[%add3A_443, %dma_start3A_449] : memref<200x128xi32, #tpu.memory_space<vmem>> -> memref<1x128xi32, #tpu.memory_space<vmem>>
      %dma_start3A_451 = tpu.memref_squeeze %dma_start3A_450 : memref<1x128xi32, #tpu.memory_space<vmem>> -> memref<128xi32, #tpu.memory_space<vmem>>
      %dma_start3A_452 = arith.constant 0 : i32
      %dma_start3A_453 = arith.constant 0 : i32
      %dma_start3A_454 = tpu.memref_slice %arg7[%dma_start3A_452, %dma_start3A_453] : memref<1002x128xf32, #tpu.memory_space<vmem_shared>> -> memref<1002x128xf32, #tpu.memory_space<vmem_shared>>
      tpu.enqueue_indirect_dma source(%dma_start3A_454 : memref<1002x128xf32, #tpu.memory_space<vmem_shared>>) target(%dma_start3A_448 : memref<128x128xf32, #tpu.memory_space<vmem>>) offsets(%dma_start3A_451 : memref<128xi32, #tpu.memory_space<vmem>>) semaphore(%arg11 : memref<!tpu.dma_semaphore, #tpu.memory_space<semaphore_mem>>)
    }
    %scan3A_60 = arith.constant 49 : i32
    %dma_wait3A = arith.constant 0 : i32
    %dma_wait3A_61 = arith.constant 0 : i32
    %dma_wait3A_62 = arith.constant 0 : i32
    %dma_wait3A_63 = arith.constant 0 : i32
    %dma_wait3A_64 = tpu.memref_slice %arg6[%dma_wait3A_61, %dma_wait3A_62, %dma_wait3A_63] : memref<4x128x128xf32, #tpu.memory_space<vmem>> -> memref<1x128x128xf32, #tpu.memory_space<vmem>>
    %dma_wait3A_65 = tpu.memref_squeeze %dma_wait3A_64 : memref<1x128x128xf32, #tpu.memory_space<vmem>> -> memref<128x128xf32, #tpu.memory_space<vmem>>
    %dma_wait3A_66 = arith.constant 0 : i32
    %dma_wait3A_67 = tpu.memref_slice %arg5[%dma_wait3A, %dma_wait3A_66] : memref<200x128xi32, #tpu.memory_space<vmem>> -> memref<1x128xi32, #tpu.memory_space<vmem>>
    %dma_wait3A_68 = tpu.memref_squeeze %dma_wait3A_67 : memref<1x128xi32, #tpu.memory_space<vmem>> -> memref<128xi32, #tpu.memory_space<vmem>>
    %dma_wait3A_69 = arith.constant 0 : i32
    %dma_wait3A_70 = arith.constant 0 : i32
    %dma_wait3A_71 = tpu.memref_slice %arg7[%dma_wait3A_69, %dma_wait3A_70] : memref<1002x128xf32, #tpu.memory_space<vmem_shared>> -> memref<1002x128xf32, #tpu.memory_space<vmem_shared>>
    tpu.wait_indirect_dma semaphore(%arg8 : memref<!tpu.dma_semaphore, #tpu.memory_space<semaphore_mem>>) src(%dma_wait3A_71 : memref<1002x128xf32, #tpu.memory_space<vmem_shared>>) dst(%dma_wait3A_65 : memref<128x128xf32, #tpu.memory_space<vmem>>)
    %add3A_72 = arith.constant 25088 : i32
    %add3A_73 = arith.addi %mul3A_2, %add3A_72 : i32
    %dma_start3A_74 = arith.constant 0 : i32
    %dma_start3A_75 = arith.constant 0 : i32
    %dma_start3A_76 = arith.constant 0 : i32
    %dma_start3A_77 = tpu.memref_slice %arg6[%dma_start3A_74, %dma_start3A_75, %dma_start3A_76] : memref<4x128x128xf32, #tpu.memory_space<vmem>> -> memref<1x128x128xf32, #tpu.memory_space<vmem>>
    %dma_start3A_78 = tpu.memref_squeeze %dma_start3A_77 : memref<1x128x128xf32, #tpu.memory_space<vmem>> -> memref<128x128xf32, #tpu.memory_space<vmem>>
    %dma_start3A_79 = arith.constant 0 : i32
    %dma_start3A_80 = tpu.memref_slice %arg4[%add3A_73, %dma_start3A_79] : memref<819200x128xf32, #tpu.memory_space<hbm>> -> memref<128x128xf32, #tpu.memory_space<hbm>>
    %dma_start3A_81 = arith.constant 0 : i32
    %dma_start3A_82 = tpu.memref_slice %arg4[%add3A_73, %dma_start3A_81] : memref<819200x128xf32, #tpu.memory_space<hbm>> -> memref<128x128xf32, #tpu.memory_space<hbm>>
    %dma_start3A_83 = arith.constant 0 : i32
    %dma_start3A_84 = arith.constant 0 : i32
    %dma_start3A_85 = tpu.memref_slice %arg6[%dma_start3A_74, %dma_start3A_83, %dma_start3A_84] : memref<4x128x128xf32, #tpu.memory_space<vmem>> -> memref<1x128x128xf32, #tpu.memory_space<vmem>>
    %dma_start3A_86 = tpu.memref_squeeze %dma_start3A_85 : memref<1x128x128xf32, #tpu.memory_space<vmem>> -> memref<128x128xf32, #tpu.memory_space<vmem>>
    tpu.enqueue_dma source(%dma_start3A_86 : memref<128x128xf32, #tpu.memory_space<vmem>>) target(%dma_start3A_82 : memref<128x128xf32, #tpu.memory_space<hbm>>) target_semaphore(%arg12 : memref<!tpu.dma_semaphore, #tpu.memory_space<semaphore_mem>>)
    %dma_wait3A_87 = arith.constant 0 : i32
    %dma_wait3A_88 = arith.constant 1 : i32
    %dma_wait3A_89 = arith.constant 0 : i32
    %dma_wait3A_90 = arith.constant 0 : i32
    %dma_wait3A_91 = tpu.memref_slice %arg6[%dma_wait3A_88, %dma_wait3A_89, %dma_wait3A_90] : memref<4x128x128xf32, #tpu.memory_space<vmem>> -> memref<1x128x128xf32, #tpu.memory_space<vmem>>
    %dma_wait3A_92 = tpu.memref_squeeze %dma_wait3A_91 : memref<1x128x128xf32, #tpu.memory_space<vmem>> -> memref<128x128xf32, #tpu.memory_space<vmem>>
    %dma_wait3A_93 = arith.constant 0 : i32
    %dma_wait3A_94 = tpu.memref_slice %arg5[%dma_wait3A_87, %dma_wait3A_93] : memref<200x128xi32, #tpu.memory_space<vmem>> -> memref<1x128xi32, #tpu.memory_space<vmem>>
    %dma_wait3A_95 = tpu.memref_squeeze %dma_wait3A_94 : memref<1x128xi32, #tpu.memory_space<vmem>> -> memref<128xi32, #tpu.memory_space<vmem>>
    %dma_wait3A_96 = arith.constant 0 : i32
    %dma_wait3A_97 = arith.constant 0 : i32
    %dma_wait3A_98 = tpu.memref_slice %arg7[%dma_wait3A_96, %dma_wait3A_97] : memref<1002x128xf32, #tpu.memory_space<vmem_shared>> -> memref<1002x128xf32, #tpu.memory_space<vmem_shared>>
    tpu.wait_indirect_dma semaphore(%arg9 : memref<!tpu.dma_semaphore, #tpu.memory_space<semaphore_mem>>) src(%dma_wait3A_98 : memref<1002x128xf32, #tpu.memory_space<vmem_shared>>) dst(%dma_wait3A_92 : memref<128x128xf32, #tpu.memory_space<vmem>>)
    %add3A_99 = arith.constant 25216 : i32
    %add3A_100 = arith.addi %mul3A_2, %add3A_99 : i32
    %dma_start3A_101 = arith.constant 1 : i32
    %dma_start3A_102 = arith.constant 0 : i32
    %dma_start3A_103 = arith.constant 0 : i32
    %dma_start3A_104 = tpu.memref_slice %arg6[%dma_start3A_101, %dma_start3A_102, %dma_start3A_103] : memref<4x128x128xf32, #tpu.memory_space<vmem>> -> memref<1x128x128xf32, #tpu.memory_space<vmem>>
    %dma_start3A_105 = tpu.memref_squeeze %dma_start3A_104 : memref<1x128x128xf32, #tpu.memory_space<vmem>> -> memref<128x128xf32, #tpu.memory_space<vmem>>
    %dma_start3A_106 = arith.constant 0 : i32
    %dma_start3A_107 = tpu.memref_slice %arg4[%add3A_100, %dma_start3A_106] : memref<819200x128xf32, #tpu.memory_space<hbm>> -> memref<128x128xf32, #tpu.memory_space<hbm>>
    %dma_start3A_108 = arith.constant 0 : i32
    %dma_start3A_109 = tpu.memref_slice %arg4[%add3A_100, %dma_start3A_108] : memref<819200x128xf32, #tpu.memory_space<hbm>> -> memref<128x128xf32, #tpu.memory_space<hbm>>
    %dma_start3A_110 = arith.constant 0 : i32
    %dma_start3A_111 = arith.constant 0 : i32
    %dma_start3A_112 = tpu.memref_slice %arg6[%dma_start3A_101, %dma_start3A_110, %dma_start3A_111] : memref<4x128x128xf32, #tpu.memory_space<vmem>> -> memref<1x128x128xf32, #tpu.memory_space<vmem>>
    %dma_start3A_113 = tpu.memref_squeeze %dma_start3A_112 : memref<1x128x128xf32, #tpu.memory_space<vmem>> -> memref<128x128xf32, #tpu.memory_space<vmem>>
    tpu.enqueue_dma source(%dma_start3A_113 : memref<128x128xf32, #tpu.memory_space<vmem>>) target(%dma_start3A_109 : memref<128x128xf32, #tpu.memory_space<hbm>>) target_semaphore(%arg13 : memref<!tpu.dma_semaphore, #tpu.memory_space<semaphore_mem>>)
    %dma_wait3A_114 = arith.constant 0 : i32
    %dma_wait3A_115 = arith.constant 2 : i32
    %dma_wait3A_116 = arith.constant 0 : i32
    %dma_wait3A_117 = arith.constant 0 : i32
    %dma_wait3A_118 = tpu.memref_slice %arg6[%dma_wait3A_115, %dma_wait3A_116, %dma_wait3A_117] : memref<4x128x128xf32, #tpu.memory_space<vmem>> -> memref<1x128x128xf32, #tpu.memory_space<vmem>>
    %dma_wait3A_119 = tpu.memref_squeeze %dma_wait3A_118 : memref<1x128x128xf32, #tpu.memory_space<vmem>> -> memref<128x128xf32, #tpu.memory_space<vmem>>
    %dma_wait3A_120 = arith.constant 0 : i32
    %dma_wait3A_121 = tpu.memref_slice %arg5[%dma_wait3A_114, %dma_wait3A_120] : memref<200x128xi32, #tpu.memory_space<vmem>> -> memref<1x128xi32, #tpu.memory_space<vmem>>
    %dma_wait3A_122 = tpu.memref_squeeze %dma_wait3A_121 : memref<1x128xi32, #tpu.memory_space<vmem>> -> memref<128xi32, #tpu.memory_space<vmem>>
    %dma_wait3A_123 = arith.constant 0 : i32
    %dma_wait3A_124 = arith.constant 0 : i32
    %dma_wait3A_125 = tpu.memref_slice %arg7[%dma_wait3A_123, %dma_wait3A_124] : memref<1002x128xf32, #tpu.memory_space<vmem_shared>> -> memref<1002x128xf32, #tpu.memory_space<vmem_shared>>
    tpu.wait_indirect_dma semaphore(%arg10 : memref<!tpu.dma_semaphore, #tpu.memory_space<semaphore_mem>>) src(%dma_wait3A_125 : memref<1002x128xf32, #tpu.memory_space<vmem_shared>>) dst(%dma_wait3A_119 : memref<128x128xf32, #tpu.memory_space<vmem>>)
    %add3A_126 = arith.constant 25344 : i32
    %add3A_127 = arith.addi %mul3A_2, %add3A_126 : i32
    %dma_start3A_128 = arith.constant 2 : i32
    %dma_start3A_129 = arith.constant 0 : i32
    %dma_start3A_130 = arith.constant 0 : i32
    %dma_start3A_131 = tpu.memref_slice %arg6[%dma_start3A_128, %dma_start3A_129, %dma_start3A_130] : memref<4x128x128xf32, #tpu.memory_space<vmem>> -> memref<1x128x128xf32, #tpu.memory_space<vmem>>
    %dma_start3A_132 = tpu.memref_squeeze %dma_start3A_131 : memref<1x128x128xf32, #tpu.memory_space<vmem>> -> memref<128x128xf32, #tpu.memory_space<vmem>>
    %dma_start3A_133 = arith.constant 0 : i32
    %dma_start3A_134 = tpu.memref_slice %arg4[%add3A_127, %dma_start3A_133] : memref<819200x128xf32, #tpu.memory_space<hbm>> -> memref<128x128xf32, #tpu.memory_space<hbm>>
    %dma_start3A_135 = arith.constant 0 : i32
    %dma_start3A_136 = tpu.memref_slice %arg4[%add3A_127, %dma_start3A_135] : memref<819200x128xf32, #tpu.memory_space<hbm>> -> memref<128x128xf32, #tpu.memory_space<hbm>>
    %dma_start3A_137 = arith.constant 0 : i32
    %dma_start3A_138 = arith.constant 0 : i32
    %dma_start3A_139 = tpu.memref_slice %arg6[%dma_start3A_128, %dma_start3A_137, %dma_start3A_138] : memref<4x128x128xf32, #tpu.memory_space<vmem>> -> memref<1x128x128xf32, #tpu.memory_space<vmem>>
    %dma_start3A_140 = tpu.memref_squeeze %dma_start3A_139 : memref<1x128x128xf32, #tpu.memory_space<vmem>> -> memref<128x128xf32, #tpu.memory_space<vmem>>
    tpu.enqueue_dma source(%dma_start3A_140 : memref<128x128xf32, #tpu.memory_space<vmem>>) target(%dma_start3A_136 : memref<128x128xf32, #tpu.memory_space<hbm>>) target_semaphore(%arg14 : memref<!tpu.dma_semaphore, #tpu.memory_space<semaphore_mem>>)
    %dma_wait3A_141 = arith.constant 0 : i32
    %dma_wait3A_142 = arith.constant 3 : i32
    %dma_wait3A_143 = arith.constant 0 : i32
    %dma_wait3A_144 = arith.constant 0 : i32
    %dma_wait3A_145 = tpu.memref_slice %arg6[%dma_wait3A_142, %dma_wait3A_143, %dma_wait3A_144] : memref<4x128x128xf32, #tpu.memory_space<vmem>> -> memref<1x128x128xf32, #tpu.memory_space<vmem>>
    %dma_wait3A_146 = tpu.memref_squeeze %dma_wait3A_145 : memref<1x128x128xf32, #tpu.memory_space<vmem>> -> memref<128x128xf32, #tpu.memory_space<vmem>>
    %dma_wait3A_147 = arith.constant 0 : i32
    %dma_wait3A_148 = tpu.memref_slice %arg5[%dma_wait3A_141, %dma_wait3A_147] : memref<200x128xi32, #tpu.memory_space<vmem>> -> memref<1x128xi32, #tpu.memory_space<vmem>>
    %dma_wait3A_149 = tpu.memref_squeeze %dma_wait3A_148 : memref<1x128xi32, #tpu.memory_space<vmem>> -> memref<128xi32, #tpu.memory_space<vmem>>
    %dma_wait3A_150 = arith.constant 0 : i32
    %dma_wait3A_151 = arith.constant 0 : i32
    %dma_wait3A_152 = tpu.memref_slice %arg7[%dma_wait3A_150, %dma_wait3A_151] : memref<1002x128xf32, #tpu.memory_space<vmem_shared>> -> memref<1002x128xf32, #tpu.memory_space<vmem_shared>>
    tpu.wait_indirect_dma semaphore(%arg11 : memref<!tpu.dma_semaphore, #tpu.memory_space<semaphore_mem>>) src(%dma_wait3A_152 : memref<1002x128xf32, #tpu.memory_space<vmem_shared>>) dst(%dma_wait3A_146 : memref<128x128xf32, #tpu.memory_space<vmem>>)
    %add3A_153 = arith.constant 25472 : i32
    %add3A_154 = arith.addi %mul3A_2, %add3A_153 : i32
    %dma_start3A_155 = arith.constant 3 : i32
    %dma_start3A_156 = arith.constant 0 : i32
    %dma_start3A_157 = arith.constant 0 : i32
    %dma_start3A_158 = tpu.memref_slice %arg6[%dma_start3A_155, %dma_start3A_156, %dma_start3A_157] : memref<4x128x128xf32, #tpu.memory_space<vmem>> -> memref<1x128x128xf32, #tpu.memory_space<vmem>>
    %dma_start3A_159 = tpu.memref_squeeze %dma_start3A_158 : memref<1x128x128xf32, #tpu.memory_space<vmem>> -> memref<128x128xf32, #tpu.memory_space<vmem>>
    %dma_start3A_160 = arith.constant 0 : i32
    %dma_start3A_161 = tpu.memref_slice %arg4[%add3A_154, %dma_start3A_160] : memref<819200x128xf32, #tpu.memory_space<hbm>> -> memref<128x128xf32, #tpu.memory_space<hbm>>
    %dma_start3A_162 = arith.constant 0 : i32
    %dma_start3A_163 = tpu.memref_slice %arg4[%add3A_154, %dma_start3A_162] : memref<819200x128xf32, #tpu.memory_space<hbm>> -> memref<128x128xf32, #tpu.memory_space<hbm>>
    %dma_start3A_164 = arith.constant 0 : i32
    %dma_start3A_165 = arith.constant 0 : i32
    %dma_start3A_166 = tpu.memref_slice %arg6[%dma_start3A_155, %dma_start3A_164, %dma_start3A_165] : memref<4x128x128xf32, #tpu.memory_space<vmem>> -> memref<1x128x128xf32, #tpu.memory_space<vmem>>
    %dma_start3A_167 = tpu.memref_squeeze %dma_start3A_166 : memref<1x128x128xf32, #tpu.memory_space<vmem>> -> memref<128x128xf32, #tpu.memory_space<vmem>>
    tpu.enqueue_dma source(%dma_start3A_167 : memref<128x128xf32, #tpu.memory_space<vmem>>) target(%dma_start3A_163 : memref<128x128xf32, #tpu.memory_space<hbm>>) target_semaphore(%arg15 : memref<!tpu.dma_semaphore, #tpu.memory_space<semaphore_mem>>)
    %dma_wait3A_168 = arith.constant 0 : i32
    %dma_wait3A_169 = arith.constant 0 : i32
    %dma_wait3A_170 = arith.constant 0 : i32
    %dma_wait3A_171 = tpu.memref_slice %arg6[%dma_wait3A_168, %dma_wait3A_169, %dma_wait3A_170] : memref<4x128x128xf32, #tpu.memory_space<vmem>> -> memref<1x128x128xf32, #tpu.memory_space<vmem>>
    %dma_wait3A_172 = tpu.memref_squeeze %dma_wait3A_171 : memref<1x128x128xf32, #tpu.memory_space<vmem>> -> memref<128x128xf32, #tpu.memory_space<vmem>>
    %dma_wait3A_173 = arith.constant 0 : i32
    %dma_wait3A_174 = tpu.memref_slice %arg4[%mul3A_2, %dma_wait3A_173] : memref<819200x128xf32, #tpu.memory_space<hbm>> -> memref<128x128xf32, #tpu.memory_space<hbm>>
    %dma_wait3A_175 = arith.constant 0 : i32
    %dma_wait3A_176 = tpu.memref_slice %arg4[%mul3A_2, %dma_wait3A_175] : memref<819200x128xf32, #tpu.memory_space<hbm>> -> memref<128x128xf32, #tpu.memory_space<hbm>>
    %dma_wait3A_177 = arith.constant 0 : i32
    %dma_wait3A_178 = arith.constant 0 : i32
    %dma_wait3A_179 = tpu.memref_slice %arg6[%dma_wait3A_168, %dma_wait3A_177, %dma_wait3A_178] : memref<4x128x128xf32, #tpu.memory_space<vmem>> -> memref<1x128x128xf32, #tpu.memory_space<vmem>>
    %dma_wait3A_180 = tpu.memref_squeeze %dma_wait3A_179 : memref<1x128x128xf32, #tpu.memory_space<vmem>> -> memref<128x128xf32, #tpu.memory_space<vmem>>
    tpu.wait_dma2 semaphore(%arg12 : memref<!tpu.dma_semaphore, #tpu.memory_space<semaphore_mem>>) src(%dma_wait3A_180 : memref<128x128xf32, #tpu.memory_space<vmem>>) dst(%dma_wait3A_176 : memref<128x128xf32, #tpu.memory_space<hbm>>)
    %dma_wait3A_181 = arith.constant 1 : i32
    %dma_wait3A_182 = arith.constant 0 : i32
    %dma_wait3A_183 = arith.constant 0 : i32
    %dma_wait3A_184 = tpu.memref_slice %arg6[%dma_wait3A_181, %dma_wait3A_182, %dma_wait3A_183] : memref<4x128x128xf32, #tpu.memory_space<vmem>> -> memref<1x128x128xf32, #tpu.memory_space<vmem>>
    %dma_wait3A_185 = tpu.memref_squeeze %dma_wait3A_184 : memref<1x128x128xf32, #tpu.memory_space<vmem>> -> memref<128x128xf32, #tpu.memory_space<vmem>>
    %dma_wait3A_186 = arith.constant 0 : i32
    %dma_wait3A_187 = tpu.memref_slice %arg4[%mul3A_2, %dma_wait3A_186] : memref<819200x128xf32, #tpu.memory_space<hbm>> -> memref<128x128xf32, #tpu.memory_space<hbm>>
    %dma_wait3A_188 = arith.constant 0 : i32
    %dma_wait3A_189 = tpu.memref_slice %arg4[%mul3A_2, %dma_wait3A_188] : memref<819200x128xf32, #tpu.memory_space<hbm>> -> memref<128x128xf32, #tpu.memory_space<hbm>>
    %dma_wait3A_190 = arith.constant 0 : i32
    %dma_wait3A_191 = arith.constant 0 : i32
    %dma_wait3A_192 = tpu.memref_slice %arg6[%dma_wait3A_181, %dma_wait3A_190, %dma_wait3A_191] : memref<4x128x128xf32, #tpu.memory_space<vmem>> -> memref<1x128x128xf32, #tpu.memory_space<vmem>>
    %dma_wait3A_193 = tpu.memref_squeeze %dma_wait3A_192 : memref<1x128x128xf32, #tpu.memory_space<vmem>> -> memref<128x128xf32, #tpu.memory_space<vmem>>
    tpu.wait_dma2 semaphore(%arg13 : memref<!tpu.dma_semaphore, #tpu.memory_space<semaphore_mem>>) src(%dma_wait3A_193 : memref<128x128xf32, #tpu.memory_space<vmem>>) dst(%dma_wait3A_189 : memref<128x128xf32, #tpu.memory_space<hbm>>)
    %dma_wait3A_194 = arith.constant 2 : i32
    %dma_wait3A_195 = arith.constant 0 : i32
    %dma_wait3A_196 = arith.constant 0 : i32
    %dma_wait3A_197 = tpu.memref_slice %arg6[%dma_wait3A_194, %dma_wait3A_195, %dma_wait3A_196] : memref<4x128x128xf32, #tpu.memory_space<vmem>> -> memref<1x128x128xf32, #tpu.memory_space<vmem>>
    %dma_wait3A_198 = tpu.memref_squeeze %dma_wait3A_197 : memref<1x128x128xf32, #tpu.memory_space<vmem>> -> memref<128x128xf32, #tpu.memory_space<vmem>>
    %dma_wait3A_199 = arith.constant 0 : i32
    %dma_wait3A_200 = tpu.memref_slice %arg4[%mul3A_2, %dma_wait3A_199] : memref<819200x128xf32, #tpu.memory_space<hbm>> -> memref<128x128xf32, #tpu.memory_space<hbm>>
    %dma_wait3A_201 = arith.constant 0 : i32
    %dma_wait3A_202 = tpu.memref_slice %arg4[%mul3A_2, %dma_wait3A_201] : memref<819200x128xf32, #tpu.memory_space<hbm>> -> memref<128x128xf32, #tpu.memory_space<hbm>>
    %dma_wait3A_203 = arith.constant 0 : i32
    %dma_wait3A_204 = arith.constant 0 : i32
    %dma_wait3A_205 = tpu.memref_slice %arg6[%dma_wait3A_194, %dma_wait3A_203, %dma_wait3A_204] : memref<4x128x128xf32, #tpu.memory_space<vmem>> -> memref<1x128x128xf32, #tpu.memory_space<vmem>>
    %dma_wait3A_206 = tpu.memref_squeeze %dma_wait3A_205 : memref<1x128x128xf32, #tpu.memory_space<vmem>> -> memref<128x128xf32, #tpu.memory_space<vmem>>
    tpu.wait_dma2 semaphore(%arg14 : memref<!tpu.dma_semaphore, #tpu.memory_space<semaphore_mem>>) src(%dma_wait3A_206 : memref<128x128xf32, #tpu.memory_space<vmem>>) dst(%dma_wait3A_202 : memref<128x128xf32, #tpu.memory_space<hbm>>)
    %dma_wait3A_207 = arith.constant 3 : i32
    %dma_wait3A_208 = arith.constant 0 : i32
    %dma_wait3A_209 = arith.constant 0 : i32
    %dma_wait3A_210 = tpu.memref_slice %arg6[%dma_wait3A_207, %dma_wait3A_208, %dma_wait3A_209] : memref<4x128x128xf32, #tpu.memory_space<vmem>> -> memref<1x128x128xf32, #tpu.memory_space<vmem>>
    %dma_wait3A_211 = tpu.memref_squeeze %dma_wait3A_210 : memref<1x128x128xf32, #tpu.memory_space<vmem>> -> memref<128x128xf32, #tpu.memory_space<vmem>>
    %dma_wait3A_212 = arith.constant 0 : i32
    %dma_wait3A_213 = tpu.memref_slice %arg4[%mul3A_2, %dma_wait3A_212] : memref<819200x128xf32, #tpu.memory_space<hbm>> -> memref<128x128xf32, #tpu.memory_space<hbm>>
    %dma_wait3A_214 = arith.constant 0 : i32
    %dma_wait3A_215 = tpu.memref_slice %arg4[%mul3A_2, %dma_wait3A_214] : memref<819200x128xf32, #tpu.memory_space<hbm>> -> memref<128x128xf32, #tpu.memory_space<hbm>>
    %dma_wait3A_216 = arith.constant 0 : i32
    %dma_wait3A_217 = arith.constant 0 : i32
    %dma_wait3A_218 = tpu.memref_slice %arg6[%dma_wait3A_207, %dma_wait3A_216, %dma_wait3A_217] : memref<4x128x128xf32, #tpu.memory_space<vmem>> -> memref<1x128x128xf32, #tpu.memory_space<vmem>>
    %dma_wait3A_219 = tpu.memref_squeeze %dma_wait3A_218 : memref<1x128x128xf32, #tpu.memory_space<vmem>> -> memref<128x128xf32, #tpu.memory_space<vmem>>
    tpu.wait_dma2 semaphore(%arg15 : memref<!tpu.dma_semaphore, #tpu.memory_space<semaphore_mem>>) src(%dma_wait3A_219 : memref<128x128xf32, #tpu.memory_space<vmem>>) dst(%dma_wait3A_215 : memref<128x128xf32, #tpu.memory_space<hbm>>)
    return
  }
}

</mosaic_0001>

<sc_bundles>
// kernel: kernel.3.cloned.1.call-start
scs
__scs_entry_jumppad:
0x0: {  	(pc) =	sbr.rel $0x88, $3  }
0x1: {  	(tag) =	ssettag $0x0;
	lr =	simm.s32 $0x1  }
0x2: {  	[smem:$0x3F9F] =	sst lr;
	_ =	strace $0xD0000000  }
0x3: {  	_ = 	snop  }
0x4: {  	_ = 	snop  }
0x5: {  	_ = 	snop  }
0x6: {  	_ = 	snop  }
0x7: {  	_ = 	snop  }
__scs_overlays_trampoline_lowered:
0x8: {  	[smem:$0x3FAE] =	sst s0  }
0x9: {  	[smem:$0x3FAF] =	sst s1  }
0xa: {  	[smem:$0x3FB0] =	sst s2  }
0xb: {  	[smem:$0x3FB1] =	sst s3  }
0xc: {  	[smem:$0x3FB2] =	sst s4  }
0xd: {  	[smem:$0x3FB3] =	sst s5  }
0xe: {  	[smem:$0x3FB4] =	sst s6  }
0xf: {  	[smem:$0x3FB5] =	sst s7  }
0x10: {  	[smem:$0x3FB6] =	sst s8  }
0x11: {  	[smem:$0x3FB7] =	sst s9;
	s0 =	simm.s32 @!p0 $0x0  }
0x12: {  	s1 =	sld [smem:$0x3F9D];
	s0 =	simm.s32 @p0 $0x1  }
0x13: {  	[smem:$0x3FB8] =	sst s0;
	s0 =	simm.s32 @!p1 $0x0  }
0x14: {  	s2 =	sld [smem:$0x3F9C];
	s0 =	simm.s32 @p1 $0x1  }
0x15: {  	[smem:$0x3FB9] =	sst s0;
	s0 =	simm.s32 @!p2 $0x0  }
0x16: {  	s3 =	sld [smem:$0x3FDB];
	s0 =	simm.s32 @p2 $0x1  }
0x17: {  	s4 =	simm.s32 $0x1BF5;
	[smem:$0x3FBB] =	sst s0  }
0x18: {  	s0 =	sld [smem:$0x3F9E];
	_ =	swait.ge [sflag:s4], $0x0  }
0x19: {  	s7 =	sld [smem:$0x3F9F]  }
0x1a: {  	s8 =	sadd.s32 $0xFFFFE003, lr  }
0x1b: {  	s9 =	sadd.s32 $0xFFFFFEF7, lr;
	s5 =	simm.s32 $0xFFFFFFFF;
	p2 =	slt.u32 s8, $0xFFFFF086  }
0x1c: {  	p1 =	slt.u32 s9, $0xF7A;
	s5 =	simm.s32 @!p2 $0x0  }
0x1d: {  	s5 =	simm.s32 @p1 $0x1;
	p0 =	seq.s32 s7, s2  }
0x1e: {  	s7 =	smul.u32 @!p0 $0xF7A, s2;
	p2 =	seq.s32 @!p0 s5, $0x0  }
0x1f: {  	s9 =	smul.u32 $0xF7A, s1;
	s8 =	simm.s32 @!p0 $0x1BF5;
	p2 =	por !p2, p0  }
0x20: {  	[sflag:s8] =	ssyncset.s32 @!p0 $0xFFFFF086;
	s6 =	sadd.s32 @!p0 s3, s7;
	s7 =	simm.s32 @!p0 $0x108  }
0x21: {  	s3 =	sadd.s32 s3, s9;
	s6 =	sadd.s32 @!p0 $0x88, s6;
	s7 =	simm.s32 @p2 $0x1082  }
0x22: {  	[simem:s7], [sflag:s8] =	dma.local @!p0 [hbm:s6], $0xF7A  }
0x23: {  	s9 =	sor.u32 $0xD0000000, s2;
	s6 =	simm.s32 $0x108;
	_ =	swait.ge @!p0 [sflag:s8], $0x0  }
0x24: {  	s3 =	sadd.s32 $0x88, s3;
	s6 =	simm.s32 @!p1 $0x1082;
	[sflag:s4] =	ssyncset.s32 $0xFFFFF086  }
0x25: {  	[simem:s6], [sflag:s4] =	dma.local [hbm:s3], $0xF7A  }
0x26: {  	[smem:$0x3F9F] =	sst s1;
	(tag) =	ssettag s2;
	_ =	strace s9  }
0x27: {  	s1 =	sld [smem:$0x3FAF]  }
0x28: {  	s2 =	sld [smem:$0x3FB0]  }
0x29: {  	s4 =	sld [smem:$0x3FB2]  }
0x2a: {  	p0 =	seq.s32 s5, $0x0;
	s5 =	sld [smem:$0x3FB3]  }
0x2b: {  	s6 =	sld [smem:$0x3FB4]  }
0x2c: {  	s7 =	sld [smem:$0x3FB5]  }
0x2d: {  	s3 =	simm.s32 $0x108;
	s8 =	sld [smem:$0x3FB6]  }
0x2e: {  	s3 =	simm.s32 @!p0 $0x1082;
	s9 =	sld [smem:$0x3FB7]  }
0x2f: {  	lr =	sadd.s32 s0, s3;
	s0 =	sld [smem:$0x3FAE]  }
0x30: {  	s3 =	sld [smem:$0x3FB1]  }
0x31: {  	[smem:$0x3FBA] =	sst s10  }
0x32: {  	s10 =	sld [smem:$0x3FB8];
	_ =	sdelay $0x3  }
0x33: {  	p0 =	seq.s32 s10, $0x1;
	s10 =	sld [smem:$0x3FBA];
	_ =	sdelay $0x3  }
0x34: {  	[smem:$0x3FBA] =	sst s10  }
0x35: {  	s10 =	sld [smem:$0x3FB9];
	_ =	sdelay $0x3  }
0x36: {  	p1 =	seq.s32 s10, $0x1;
	s10 =	sld [smem:$0x3FBA];
	_ =	sdelay $0x3  }
0x37: {  	[smem:$0x3FBA] =	sst s10  }
0x38: {  	s10 =	sld [smem:$0x3FBB]  }
0x39: {  	_ = 	snop;
	(pc) =	sbr.ind lr, $3  }
0x3a: {  	_ = 	snop  }
0x3b: {  	_ = 	snop  }
0x3c: {  	p2 =	seq.s32 s10, $0x1;
	s10 =	sld [smem:$0x3FBA]  }
0x3d: {  	_ =	shalt  }
0x3e: {  	_ =	shalt  }
0x3f: {  	_ =	shalt  }
0x40: {  	_ =	shalt  }
0x41: {  	_ =	shalt  }
0x42: {  	_ =	shalt  }
0x43: {  	_ =	shalt  }
0x44: {  	_ =	shalt  }
0x45: {  	_ =	shalt  }
0x46: {  	_ =	shalt  }
0x47: {  	_ =	shalt  }
0x48: {  	_ =	shalt  }
0x49: {  	_ =	shalt  }
0x4a: {  	_ =	shalt  }
0x4b: {  	_ =	shalt  }
0x4c: {  	_ =	shalt  }
0x4d: {  	_ =	shalt  }
0x4e: {  	_ =	shalt  }
0x4f: {  	_ =	shalt  }
0x50: {  	_ =	shalt  }
0x51: {  	_ =	shalt  }
0x52: {  	_ =	shalt  }
0x53: {  	_ =	shalt  }
0x54: {  	_ =	shalt  }
0x55: {  	_ =	shalt  }
0x56: {  	_ =	shalt  }
0x57: {  	_ =	shalt  }
0x58: {  	_ =	shalt  }
0x59: {  	_ =	shalt  }
0x5a: {  	_ =	shalt  }
0x5b: {  	_ =	shalt  }
0x5c: {  	_ =	shalt  }
0x5d: {  	_ =	shalt  }
0x5e: {  	_ =	shalt  }
0x5f: {  	_ =	shalt  }
0x60: {  	_ =	shalt  }
0x61: {  	_ =	shalt  }
0x62: {  	_ =	shalt  }
0x63: {  	_ =	shalt  }
0x64: {  	_ =	shalt  }
0x65: {  	_ =	shalt  }
0x66: {  	_ =	shalt  }
0x67: {  	_ =	shalt  }
0x68: {  	_ =	shalt  }
0x69: {  	_ =	shalt  }
0x6a: {  	_ =	shalt  }
0x6b: {  	_ =	shalt  }
0x6c: {  	_ =	shalt  }
0x6d: {  	_ =	shalt  }
0x6e: {  	_ =	shalt  }
0x6f: {  	_ =	shalt  }
0x70: {  	_ =	shalt  }
0x71: {  	_ =	shalt  }
0x72: {  	_ =	shalt  }
0x73: {  	_ =	shalt  }
0x74: {  	_ =	shalt  }
0x75: {  	_ =	shalt  }
0x76: {  	_ =	shalt  }
0x77: {  	_ =	shalt  }
0x78: {  	_ =	shalt  }
0x79: {  	_ =	shalt  }
0x7a: {  	_ =	shalt  }
0x7b: {  	_ =	shalt  }
0x7c: {  	_ =	shalt  }
0x7d: {  	_ =	shalt  }
0x7e: {  	_ =	shalt  }
0x7f: {  	_ =	shalt  }
0x80: {  	_ =	shalt  }
0x81: {  	_ =	shalt  }
0x82: {  	_ =	shalt  }
0x83: {  	_ =	shalt  }
0x84: {  	_ =	shalt  }
0x85: {  	_ =	shalt  }
0x86: {  	_ =	shalt  }
0x87: {  	_ =	shalt  }
.Lfunc_end0:
.L_simem_size_0:
called_computation_lowered:
.L_overlay_start_0:
0x88: {  	s2 =	sld [smem:$0x3FD9]  }
0x89: {  	s3 =	sld [smem:$0x3FFE];
	_ =	sdelay $0x1  }
0x8a: {  	s1 =	srdreg.scid  }
0x8b: {  	s0 =	sand.u32 $0x1, s1  }
0x8c: {  	s17 =	sshll.u32 s0, $0xA;
	s2 =	sadd.s32 s3, s2  }
0x8d: {  	s2 =	sadd.s32 s2, s17  }
0x8e: {  	[smem:$0x3FC6] =	sst s2  }
0x8f: {  	_ = 	snop  }
0x90: {  	s2 =	sld [smem:$0x3FC8]  }
0x91: {  	s18 =	sld [smem:$0x3FD0];
	(tm) =	ssettm $0x1  }
0x92: {  	s4 =	sld [smem:$0x3FFB];
	_ =	sdelay $0x3  }
0x93: {  	_ =	strace s4  }
0x94: {  	s4 =	sld [smem:$0x3FFC];
	_ =	sdelay $0x3  }
0x95: {  	_ =	strace s4  }
0x96: {  	s4 =	sld [smem:$0x3FFD];
	_ =	sdelay $0x3  }
0x97: {  	_ =	strace s4  }
0x98: {  	_ =	strace $0x8FFFFFFF  }
0x99: {  	s19 =	sld [smem:$0x3FDB];
	_ =	sdelay $0x1  }
0x9a: {  	s5 =	simm.s32 $_scs_section_size  }
0x9b: {  	s6 =	simm.s32 $_size__tile_overlayer_lowered;
	s7 =	simm.s32 $_tile_overlayer_lowered  }
0x9c: {  	s22 =	simm.s32 $0x1BFF;
	s21 =	sshll.u32 s7, $0x1;
	s4 =	sadd.s32 s5, s19  }
0x9d: {  	s8 =	simm.s32 $0x0;
	s20 =	sshll.u32 s6, $0x1;
	s6 =	sadd.s32 s21, s4  }
0x9e: {  	[timem:s8], [sflag:s22] =	dma.local [hbm:s6], s20  }
0x9f: {  	_ =	swait.ge [sflag:s22], s20  }
0xa0: {  	s5 =	ssub.s32 $0x0, s20;
	[sflag:s22] =	ssyncset.done $0x0  }
0xa1: {  	[sflag:s22] =	ssyncadd.s32 s5;
	_ =	sdelay $0x1  }
0xa2: {  	s23 =	simm.s32 $0x1B8B  }
0xa3: {  	_ =	swait.ge [sflag:s23], $0x1  }
0xa4: {  	[sflag:s23] =	ssyncset.done $0x0  }
0xa5: {  	s25 =	simm.s32 $0x1B8E;
	s24 =	sld [smem:$0x3FFE];
	[sflag:s23] =	ssyncadd.s32 $0xFFFFFFFF  }
0xa6: {  	s26 =	simm.s32 $execute0_lowered;
	[smem:$0x3FD2] =	sst s25  }
0xa7: {  	s6 =	sshll.u32 s26, $0x1;
	_ =	strace $0x80000046;
	[dreg:$0x1] =	wrdreg $0xFFFFFFFF  }
0xa8: {  	s28 =	simm.s32 $_size_execute0_lowered;
	s4 =	sadd.s32 s4, s6;
	[dreg:$0x0] =	wrdreg $0x0  }
0xa9: {  	s6 =	sshll.u32 s28, $0x1;
	[dreg:$0x2] =	wrdreg s4  }
0xaa: {  	[dreg:$0x3] =	wrdreg s6  }
0xab: {  	[dreg:$0x4] =	wrdreg $0xC0  }
0xac: {  	_ =	task [dreg:s8], $0x5FFFF  }
0xad: {  	[dreg:$0x1] =	wrdreg $0xFFFFFFFF  }
0xae: {  	[dreg:$0x0] =	wrdreg $0x60  }
0xaf: {  	[dreg:$0x2] =	wrdreg s24  }
0xb0: {  	[dreg:$0x3] =	wrdreg s2  }
0xb1: {  	[dreg:$0x4] =	wrdreg s18  }
0xb2: {  	[dreg:$0x5] =	wrdreg $0x164000  }
0xb3: {  	[dreg:$0x6] =	wrdreg $0x9  }
0xb4: {  	_ =	task.clear_ibuf [dreg:s8], $0x7FFFF;
	_ =	strace $0x90000046  }
0xb5: {  	s29 =	simm.s32 $0x9;
	_ =	strace $0x80000048  }
0xb6: {  	_ =	swait.ge [sflag:s29], $0x1  }
0xb7: {  	[sflag:s29] =	ssyncadd.s32 $0xFFFFFFFF  }
0xb8: {  	_ =	strace $0x90000048  }
0xb9: {  	_ =	sfence  }
0xba: {  	s30 =	sld [smem:$0x0];
	_ =	sdelay $0x2  }
0xbb: {  	s31 =	sshll.u32 s1, $0xD;
	s1 =	sshrl.u32 s1, $0x2  }
0xbc: {  	s3 =	sand.u32 $0x4000, s31;
	s1 =	sadd.s32 s1, s30  }
0xbd: {  	s0 =	sor.u32 s3, s0;
	s1 =	sshll.u32 s1, $0x11  }
0xbe: {  	s0 =	sor.u32 s1, s0  }
0xbf: {  	s0 =	sadd.s32 $0x8F2B, s0  }
0xc0: {  	[sflag:s0] =	ssyncadd.remote.s32 $0x1  }
0xc1: {  	_ =	sfence.sel $0xFFFF  }
0xc2: {  	[dreg:$0x0] =	wrdreg $0xFFFFFFFF;
	(pc) =	sbr.abs _section_cstart, $3  }
0xc3: {  	[dreg:$0x1] =	wrdreg $0xFFFFFFFF  }
0xc4: {  	_ =	task.clear_ibuf [dreg:s8], $0x2FFFF;
	_ =	strace $0x9FFFFFFF  }
0xc5: {  	(tm) =	ssettm $0x7FFFFFFF  }
tec
execute0_lowered:
.L_overlay_start_1:
0x0: {  	(tag) =	ssettag $0x1  }
0x1: {  	s0 =	rddreg [dreg:$0x0]  }
0x2: {  	s1 =	srdreg.scid;
	s4 =	rddreg [dreg:$0x1]  }
0x3: {  	s13 =	stileid.u32;
	s5 =	rddreg [dreg:$0x2];
	s3 =	simm.s32 $0x0  }
0x4: {  	s17 =	simm.s32 $0x9;
	s18 =	simm.s32 $0x80;
	s19 =	simm.s32 $0x6400  }
0x5: {  	s28 =	simm.s32 $0x3;
	s29 =	simm.s32 $0x4;
	s30 =	simm.s32 $0x5  }
0x6: {  	s31 =	simm.s32 $0x6;
	s1 =	sand.u32 $0x1, s1;
	s12 =	smul.u32 $0x640000, s13  }
0x7: {  	s2 =	sshll.u32 s13, $0x1;
	[smem:$0x7FF] =	sst s3;
	s25 =	smul.u32 $0xC8000, s13  }
0x8: {  	s9 =	sshll.u32 s13, $0xD;
	s21 =	sshll.u32 s13, $0xA;
	s24 =	smul.u32 $0x320000, s1  }
0x9: {  	s6 =	sor.u32 s1, s2;
	s20 =	ssub.s32 $0x2, s1;
	s1 =	smul.u32 $0x64000, s1  }
0xa: {  	p0 =	seq.s32 s13, $0xF;
	s2 =	rddreg [dreg:$0x3];
	s7 =	smul.u32 $0x6400, s6  }
0xb: {  	_ =	strace $0x80000047;
	s8 =	sshrl.u32 s20, $0x1;
	s6 =	smul.u32 $0x320000, s6  }
0xc: {  	s16 =	sadd.s32 s9, s2;
	s14 =	sadd.s32 $0x1E000, s2;
	s26 =	sadd.s32 s25, s5  }
0xd: {  	s25 =	simm.s32 $0x1;
	s11 =	ssub.s32 s20, s8;
	s14 =	sshrl.u32 @p0 s14, $0x3  }
0xe: {  	s16 =	sshrl.u32 @!p0 s16, $0x3;
	s20 =	simm.s32 $0xA400;
	s7 =	sshrl.u32 s7, $0x3  }
0xf: {  	s6 =	sshrl.u32 s6, $0x3;
	s0 =	sadd.s32 s7, s0;
	s7 =	sadd.s32 s4, s21  }
0x10: {  	s11 =	smax.u32 s11, $0x1;
	s4 =	sadd.s32 $0x3C00, s4;
	[dreg:$0x5] =	wrdreg s7  }
0x11: {  	s22 =	sadd.s32 s5, s6;
	s21 =	simm.s32 $0x0;
	[dreg:$0x6] =	wrdreg s4  }
0x12: {  	s0 =	sadd.s32 $0x400, s0;
	s23 =	sadd.s32 $0x62000, s22;
	s8 =	sadd.s32 $0x62800, s22  }
0x13: {  	s9 =	sadd.s32 $0x63000, s22;
	s10 =	sadd.s32 $0x63800, s22;
	s4 =	sshll.u32 @!p0 s13, $0x6  }
0x14: {  	s13 =	sadd.s32 s1, s26;
	s22 =	simm.s32 $0xE400;
	s26 =	simm.s32 $0x2  }
0x15: {  	s1 =	simm.s32 $0x7;
	[dreg:$0x7] =	wrdreg s0;
	s0 =	sadd.s32 s24, s12  }
0x16: {  	[dreg:$0x8] =	wrdreg s23;
	s15 =	sor.u32 @!p0 $0x1C09, s4;
	s0 =	sshrl.u32 s0, $0x3  }
0x17: {  	s24 =	simm.s32 $0x12400;
	s12 =	sadd.s32 s0, s5;
	s0 =	simm.s32 $0x8  }
.LBB2_1:
0x18: {  	s4 =	simm.s32 @p0 $0x1FC9;
	s5 =	rddreg [dreg:$0x6]  }
0x19: {  	[spmem:s14], [sflag:s4] =	dma.local @p0 [hbm:s5], $0x2A0  }
0x1a: {  	s4 =	simm.s32 @p0 $0x9  }
0x1b: {  	_ =	swait.ge @p0 [sflag:s4], $0x2A0  }
0x1c: {  	[sflag:s4] =	ssyncset.done @p0 $0x0  }
0x1d: {  	[sflag:s4] =	ssyncadd.s32 @p0 $0xFFFFFD60;
	s4 =	rddreg [dreg:$0x5]  }
0x1e: {  	[spmem:s16], [sflag:s15] =	dma.local @!p0 [hbm:s4], $0x400  }
0x1f: {  	s4 =	simm.s32 @!p0 $0x9  }
0x20: {  	_ =	swait.ge @!p0 [sflag:s4], $0x400  }
0x21: {  	[sflag:s4] =	ssyncset.done @!p0 $0x0  }
0x22: {  	s6 =	rddreg [dreg:$0x7];
	[sflag:s4] =	ssyncadd.s32 @!p0 $0xFFFFFC00  }
0x23: {  	[tilespmem:s3], [sflag:$0x9] =	stream.linear.gather [hbm4b:s6+s3], $0x6400, $0x38;
	[tilespmem:$0x18350] =	vst v63  }
0x24: {  	_ =	swait.ge [sflag:s17], $0x6400  }
0x25: {  	[sflag:s17] =	ssyncset.done $0x0  }
0x26: {  	[sflag:s17] =	ssyncadd.s32 $0xFFFF9C00  }
0x27: {  	[bflag:$0x0] =	sbarrier.arrive $0xFFFF  }
0x28: {  	[tilespmem:s19], [sflag:$0x1] =	stream.indirect.gather [spmem:s2], $0x80, s3, s18, $0xb8;
	[tilespmem:$0x18350] =	vst v63  }
0x29: {  	_ = 	snop  }
0x2a: {  	[tilespmem:s20], [sflag:$0x2] =	stream.indirect.gather [spmem:s2], $0x80, s18, s18, $0xb8;
	[tilespmem:$0x18350] =	vst v63  }
0x2b: {  	s7 =	simm.s32 $0x100  }
0x2c: {  	[tilespmem:s22], [sflag:$0x3] =	stream.indirect.gather [spmem:s2], $0x80, s7, s18, $0xb8;
	[tilespmem:$0x18350] =	vst v63  }
0x2d: {  	s23 =	simm.s32 $0x180  }
0x2e: {  	[tilespmem:s24], [sflag:$0x4] =	stream.indirect.gather [spmem:s2], $0x80, s23, s18, $0xb8;
	[tilespmem:$0x18350] =	vst v63  }
0x2f: {  	_ =	swait.ge [sflag:s25], $0x4000  }
0x30: {  	[sflag:s25] =	ssyncset.done $0x0  }
0x31: {  	s5 =	sadd.s32 $0x0, s12;
	[sflag:s25] =	ssyncadd.s32 $0xFFFFC000  }
0x32: {  	[hbm4b:s5+s3] =	stream.linear.scatter [tilespmem:s19], [sflag:$0x5], $0x4000, $0x38;
	[tilespmem:$0x18350] =	vst v63  }
0x33: {  	_ =	swait.ge [sflag:s26], $0x4000  }
0x34: {  	s6 =	sadd.s32 $0x0, s13;
	[sflag:s26] =	ssyncset.done $0x0  }
0x35: {  	s7 =	sadd.s32 $0x800, s6;
	[sflag:s26] =	ssyncadd.s32 $0xFFFFC000  }
0x36: {  	[hbm4b:s7+s3] =	stream.linear.scatter [tilespmem:s20], [sflag:$0x6], $0x4000, $0x38;
	[tilespmem:$0x18350] =	vst v63  }
0x37: {  	_ =	swait.ge [sflag:s28], $0x4000  }
0x38: {  	[sflag:s28] =	ssyncset.done $0x0  }
0x39: {  	s23 =	sadd.s32 $0x1000, s6;
	[sflag:s28] =	ssyncadd.s32 $0xFFFFC000  }
0x3a: {  	[hbm4b:s23+s3] =	stream.linear.scatter [tilespmem:s22], [sflag:$0x7], $0x4000, $0x38;
	[tilespmem:$0x18350] =	vst v63  }
0x3b: {  	_ =	swait.ge [sflag:s29], $0x4000  }
0x3c: {  	[sflag:s29] =	ssyncset.done $0x0  }
0x3d: {  	s4 =	sadd.s32 $0x1800, s6;
	[sflag:s29] =	ssyncadd.s32 $0xFFFFC000  }
0x3e: {  	[hbm4b:s4+s3] =	stream.linear.scatter [tilespmem:s24], [sflag:$0x8], $0x4000, $0x38;
	[tilespmem:$0x18350] =	vst v63  }
0x3f: {  	_ =	swait.ge [sflag:s30], $0x4000  }
0x40: {  	[sflag:s30] =	ssyncset.done $0x0  }
0x41: {  	s6 =	simm.s32 $0x200;
	[sflag:s30] =	ssyncadd.s32 $0xFFFFC000  }
0x42: {  	[tilespmem:s19], [sflag:$0x1] =	stream.indirect.gather [spmem:s2], $0x80, s6, s18, $0xb8;
	[tilespmem:$0x18350] =	vst v63  }
0x43: {  	_ =	swait.ge [sflag:s31], $0x4000  }
0x44: {  	[sflag:s31] =	ssyncset.done $0x0  }
0x45: {  	s7 =	simm.s32 $0x280;
	[sflag:s31] =	ssyncadd.s32 $0xFFFFC000  }
0x46: {  	[tilespmem:s20], [sflag:$0x2] =	stream.indirect.gather [spmem:s2], $0x80, s7, s18, $0xb8;
	[tilespmem:$0x18350] =	vst v63  }
0x47: {  	_ =	swait.ge [sflag:s1], $0x4000  }
0x48: {  	[sflag:s1] =	ssyncset.done $0x0  }
0x49: {  	s23 =	simm.s32 $0x300;
	[sflag:s1] =	ssyncadd.s32 $0xFFFFC000  }
0x4a: {  	[tilespmem:s22], [sflag:$0x3] =	stream.indirect.gather [spmem:s2], $0x80, s23, s18, $0xb8;
	[tilespmem:$0x18350] =	vst v63  }
0x4b: {  	_ =	swait.ge [sflag:s0], $0x4000  }
0x4c: {  	s5 =	simm.s32 $0x580;
	[sflag:s0] =	ssyncset.done $0x0  }
0x4d: {  	s4 =	simm.s32 $0x2000;
	s23 =	simm.s32 $0x380;
	[sflag:s0] =	ssyncadd.s32 $0xFFFFC000  }
.LBB2_2:
0x4e: {  	[tilespmem:s24], [sflag:$0x4] =	stream.indirect.gather [spmem:s2], $0x80, s23, s18, $0xb8;
	[tilespmem:$0x18350] =	vst v63  }
0x4f: {  	s6 =	smov.u32 s4;
	s23 =	smov.u32 s5  }
0x50: {  	p1 =	sne.s32 s4, $0x60000;
	s4 =	sadd.s32 $0x2000, s4;
	_ =	swait.ge [sflag:s25], $0x4000  }
0x51: {  	[sflag:s25] =	ssyncset.done $0x0  }
0x52: {  	s7 =	sadd.s32 s6, s12;
	[sflag:s25] =	ssyncadd.s32 $0xFFFFC000  }
0x53: {  	[hbm4b:s7+s3] =	stream.linear.scatter [tilespmem:s19], [sflag:$0x5], $0x4000, $0x38;
	[tilespmem:$0x18350] =	vst v63  }
0x54: {  	_ =	swait.ge [sflag:s26], $0x4000  }
0x55: {  	s6 =	sadd.s32 s6, s13;
	[sflag:s26] =	ssyncset.done $0x0  }
0x56: {  	s7 =	sadd.s32 $0x800, s6;
	[sflag:s26] =	ssyncadd.s32 $0xFFFFC000  }
0x57: {  	[hbm4b:s7+s3] =	stream.linear.scatter [tilespmem:s20], [sflag:$0x6], $0x4000, $0x38;
	[tilespmem:$0x18350] =	vst v63  }
0x58: {  	_ =	swait.ge [sflag:s28], $0x4000  }
0x59: {  	[sflag:s28] =	ssyncset.done $0x0  }
0x5a: {  	s7 =	sadd.s32 $0x1000, s6;
	[sflag:s28] =	ssyncadd.s32 $0xFFFFC000  }
0x5b: {  	[hbm4b:s7+s3] =	stream.linear.scatter [tilespmem:s22], [sflag:$0x7], $0x4000, $0x38;
	[tilespmem:$0x18350] =	vst v63  }
0x5c: {  	_ =	swait.ge [sflag:s29], $0x4000  }
0x5d: {  	[sflag:s29] =	ssyncset.done $0x0  }
0x5e: {  	s6 =	sadd.s32 $0x1800, s6;
	[sflag:s29] =	ssyncadd.s32 $0xFFFFC000  }
0x5f: {  	[hbm4b:s6+s3] =	stream.linear.scatter [tilespmem:s24], [sflag:$0x8], $0x4000, $0x38;
	[tilespmem:$0x18350] =	vst v63  }
0x60: {  	_ =	swait.ge [sflag:s30], $0x4000  }
0x61: {  	[sflag:s30] =	ssyncset.done $0x0  }
0x62: {  	s6 =	sadd.s32 $0xFFFFFE80, s5;
	[sflag:s30] =	ssyncadd.s32 $0xFFFFC000  }
0x63: {  	[tilespmem:s19], [sflag:$0x1] =	stream.indirect.gather [spmem:s2], $0x80, s6, s18, $0xb8;
	[tilespmem:$0x18350] =	vst v63  }
0x64: {  	_ =	swait.ge [sflag:s31], $0x4000  }
0x65: {  	[sflag:s31] =	ssyncset.done $0x0  }
0x66: {  	s6 =	sadd.s32 $0xFFFFFF00, s5;
	[sflag:s31] =	ssyncadd.s32 $0xFFFFC000  }
0x67: {  	[tilespmem:s20], [sflag:$0x2] =	stream.indirect.gather [spmem:s2], $0x80, s6, s18, $0xb8;
	[tilespmem:$0x18350] =	vst v63  }
0x68: {  	_ =	swait.ge [sflag:s1], $0x4000  }
0x69: {  	[sflag:s1] =	ssyncset.done $0x0  }
.Ltmp0:
0x6a: {  	s6 =	sadd.s32 $0xFFFFFF80, s5;
	[sflag:s1] =	ssyncadd.s32 $0xFFFFC000;
	(pc) =	sbr.rel @p1 .LBB2_2-.Ltmp0, $4  }
0x6b: {  	[tilespmem:s22], [sflag:$0x3] =	stream.indirect.gather [spmem:s2], $0x80, s6, s18, $0xb8;
	[tilespmem:$0x18350] =	vst v63  }
0x6c: {  	_ =	swait.ge [sflag:s0], $0x4000  }
0x6d: {  	[sflag:s0] =	ssyncset.done $0x0  }
0x6e: {  	s5 =	sadd.s32 $0x200, s5;
	[sflag:s0] =	ssyncadd.s32 $0xFFFFC000  }
0x6f: {  	[tilespmem:s24], [sflag:$0x4] =	stream.indirect.gather [spmem:s2], $0x80, s23, s18, $0xb8;
	[tilespmem:$0x18350] =	vst v63  }
0x70: {  	_ =	swait.ge [sflag:s25], $0x4000  }
0x71: {  	[sflag:s25] =	ssyncset.done $0x0  }
0x72: {  	s4 =	rddreg [dreg:$0x8];
	[sflag:s25] =	ssyncadd.s32 $0xFFFFC000  }
0x73: {  	[hbm4b:s4+s3] =	stream.linear.scatter [tilespmem:s19], [sflag:$0x5], $0x4000, $0x38;
	[tilespmem:$0x18350] =	vst v63  }
0x74: {  	_ =	swait.ge [sflag:s26], $0x4000  }
0x75: {  	[sflag:s26] =	ssyncset.done $0x0  }
0x76: {  	[sflag:s26] =	ssyncadd.s32 $0xFFFFC000  }
0x77: {  	[hbm4b:s8+s3] =	stream.linear.scatter [tilespmem:s20], [sflag:$0x6], $0x4000, $0x38;
	[tilespmem:$0x18350] =	vst v63  }
0x78: {  	_ =	swait.ge [sflag:s28], $0x4000  }
0x79: {  	[sflag:s28] =	ssyncset.done $0x0  }
0x7a: {  	[sflag:s28] =	ssyncadd.s32 $0xFFFFC000  }
0x7b: {  	[hbm4b:s9+s3] =	stream.linear.scatter [tilespmem:s22], [sflag:$0x7], $0x4000, $0x38;
	[tilespmem:$0x18350] =	vst v63  }
0x7c: {  	_ =	swait.ge [sflag:s29], $0x4000  }
0x7d: {  	[sflag:s29] =	ssyncset.done $0x0  }
0x7e: {  	[sflag:s29] =	ssyncadd.s32 $0xFFFFC000  }
0x7f: {  	[hbm4b:s10+s3] =	stream.linear.scatter [tilespmem:s24], [sflag:$0x8], $0x4000, $0x38;
	[tilespmem:$0x18350] =	vst v63  }
0x80: {  	_ =	swait.ge [sflag:s30], $0x4000  }
0x81: {  	[sflag:s30] =	ssyncset.done $0x0  }
0x82: {  	[sflag:s30] =	ssyncadd.s32 $0xFFFFC000  }
0x83: {  	_ =	swait.ge [sflag:s31], $0x4000  }
0x84: {  	[sflag:s31] =	ssyncset.done $0x0  }
0x85: {  	s21 =	sadd.s32 $0x1, s21;
	[sflag:s31] =	ssyncadd.s32 $0xFFFFC000  }
0x86: {  	p1 =	sne.s32 s21, s11;
	_ =	swait.ge [sflag:s1], $0x4000  }
.Ltmp1:
0x87: {  	[sflag:s1] =	ssyncset.done $0x0;
	(pc) =	sbr.rel @p1 .LBB2_1-.Ltmp1, $4  }
0x88: {  	[sflag:s1] =	ssyncadd.s32 $0xFFFFC000  }
0x89: {  	_ =	swait.ge [sflag:s0], $0x4000  }
0x8a: {  	[sflag:s0] =	ssyncset.done $0x0  }
0x8b: {  	[sflag:s0] =	ssyncadd.s32 $0xFFFFC000  }
0x8c: {  	_ =	sfence.sel $0x180000  }
0x8d: {  	[bflag:$0x0] =	sbarrier.arrive $0xFFFF  }
0x8e: {  	_ =	strace $0x90000047  }
0x8f: {  	s0 =	stileid.u32;
	[bflag:$0x2] =	sbarrier.arrive $0xFFFF  }
0x90: {  	p0 =	sne.s32 s0, $0x0;
	s0 =	rddreg [dreg:$0x4]  }
0x91: {  	s0 =	sadd.s32 @!p0 $0x100000, s0  }
0x92: {  	[sflag:s0] =	ssyncadd.tile.s32 @!p0 $0x1;
	_ =	shalt  }
.Lfunc_end2:
_tile_overlayer_lowered:
.L_overlay_start_2:
0x93: {  	(tag) =	ssettag $0x2  }
0x94: {  	s0 =	rddreg [dreg:$0x0];
	s2 =	stileid.u32  }
0x95: {  	s1 =	rddreg [dreg:$0x1];
	p0 =	sne.s32 s2, $0x0  }
0x96: {  	s3 =	rddreg [dreg:$0x2];
	[bflag:$0x3] =	sbarrier.arrive $0xFFFF;
	s2 =	simm.s32 @!p0 $0x1C09  }
0x97: {  	[timem:s3], [sflag:s2] =	dma.local @!p0 [hbm:s0], s1  }
0x98: {  	s0 =	simm.s32 @!p0 $0x9  }
0x99: {  	_ =	swait.ge @!p0 [sflag:s0], s1  }
0x9a: {  	s1 =	ssub.s32 @!p0 $0x0, s1;
	[sflag:s0] =	ssyncset.done @!p0 $0x0  }
0x9b: {  	[sflag:s0] =	ssyncadd.s32 @!p0 s1  }
0x9c: {  	[bflag:$0x3] =	sbarrier.arrive $0xFFFF  }
0x9d: {  	_ =	shalt  }

</sc_bundles>
